<compile_context>
chip_gen: v7x
topology: tpu7x:2x2x1
jax: 0.10.2.dev20260603
libtpu: 0.0.44.dev20260713+nightly
codegen_flags: <defaults>
</compile_context>

<pallas_src>
import functools

import jax
import jax.numpy as jnp
from jax import lax
from jax.experimental import pallas as pl
from jax.experimental.pallas import tpu as pltpu
from jax.experimental.pallas import tpu_sc as plsc

_NC = 2
_NS = 16

_N_STREAM = 88
_STREAM_CH = 32
_SPMEM_CH = 256


def _chunk_sizes(total, ch):
    sizes = [ch] * (total // ch)
    if total % ch:
        sizes.append(total % ch)
    return sizes


def _copy_pipeline(src_hbm, out_hbm, bufs, sem_in, sem_out, base, sizes, b, d):
    nbuf = len(bufs)
    nchunk = len(sizes)
    offs = [base] * nchunk
    for c in range(1, nchunk):
        offs[c] = offs[c - 1] + sizes[c - 1]
    in_copies = [None] * nchunk
    out_copies = [None] * nchunk
    drained = [False] * nchunk

    def start_in(c):
        in_copies[c] = pltpu.async_copy(
            src_hbm.at[pl.ds(offs[c], sizes[c])],
            bufs[c % nbuf].at[pl.ds(0, sizes[c])], sem_in[c % nbuf])

    def drain_outs(c):
        if 0 <= c < nchunk and out_copies[c] is not None and not drained[c]:
            for cp in out_copies[c]:
                cp.wait()
            drained[c] = True

    start_in(0)
    for c in range(nchunk):
        nxt = c + 1
        if nxt < nchunk:
            drain_outs(nxt - nbuf)
            start_in(nxt)
        in_copies[c].wait()
        out_copies[c] = [
            pltpu.async_copy(
                bufs[c % nbuf].at[pl.ds(0, sizes[c])],
                out_hbm.at[pl.ds(offs[c], sizes[c]), pl.ds(j * d, d)],
                sem_out[c % nbuf])
            for j in range(b)
        ]
    for c in range(nchunk):
        drain_outs(c)


def _make_sc_kernel(s, b, d):
    half = s // _NC
    sp_rows = half - (_NS - 1) * _N_STREAM
    stream_sizes = _chunk_sizes(_N_STREAM, _STREAM_CH)
    spmem_sizes = _chunk_sizes(sp_rows, _SPMEM_CH)
    n_tile_buf = 3
    n_sh_buf = 2
    mesh = plsc.VectorSubcoreMesh(
        core_axis_name="c", subcore_axis_name="s",
        num_cores=_NC, num_subcores=_NS)

    @functools.partial(
        pl.kernel,
        out_type=jax.ShapeDtypeStruct((s, b * d), jnp.float32),
        mesh=mesh,
        scratch_types=(
            [pltpu.VMEM((_STREAM_CH, d), jnp.float32)] * n_tile_buf
            + [pltpu.VMEM_SHARED((_SPMEM_CH, d), jnp.float32)] * n_sh_buf
            + [pltpu.SemaphoreType.DMA] * (2 * max(n_tile_buf, n_sh_buf))
        ),
    )
    def sc_copy(table_hbm, out_hbm, *scratch):
        tile_bufs = scratch[:n_tile_buf]
        sh_bufs = scratch[n_tile_buf:n_tile_buf + n_sh_buf]
        sems = scratch[n_tile_buf + n_sh_buf:]
        nsem = len(sems) // 2
        sem_in = sems[:nsem]
        sem_out = sems[nsem:]
        cid = lax.axis_index("c")
        sid = lax.axis_index("s")
        core_base = cid * half

        @pl.when(sid == 0)
        def _spmem_driver():
            _copy_pipeline(table_hbm, out_hbm,
                           sh_bufs, sem_in[:n_sh_buf], sem_out[:n_sh_buf],
                           core_base, spmem_sizes, b, d)

        @pl.when(sid != 0)
        def _stream_worker():
            base = core_base + sp_rows + (sid - 1) * _N_STREAM
            _copy_pipeline(table_hbm, out_hbm,
                           tile_bufs, sem_in, sem_out,
                           base, stream_sizes, b, d)

    return sc_copy


def kernel(x, table):
    s = x.shape[0]
    b = x.shape[1]
    d = table.shape[1]
    out2d = _make_sc_kernel(s, b, d)(table)
    return out2d.reshape(s, b, d)

# --- scband reference (transcript-rebuilt; emitter-appended) ---
"""Pipeline reference for scband-position-embedding-learned1-d-12807592477398 (READ-ONLY COPY).

The authoritative reference and input builder live on the scoring server;
editing this copy changes nothing except your own understanding.
"""

import jax, jax.numpy as jnp
import numpy as np

DIC_LEN = 4096
D_MODEL = 1024
SEQ_LEN = 4096
BATCH = 4

def setup_inputs(seed: int = 0) -> dict:
    key = jax.random.key(seed)
    k1, k2 = jax.random.split(key)
    x = jax.random.normal(k1, (SEQ_LEN, BATCH, D_MODEL), dtype=jnp.float32)
    # learned embedding table (nn.Embedding default init ~ N(0,1); scale kept modest)
    table = jax.random.normal(k2, (DIC_LEN, D_MODEL), dtype=jnp.float32)
    return {"x": x, "table": table}

def reference(x, table):
    S = x.shape[0]
    B = x.shape[1]
    position_ids = jnp.arange(S, dtype=jnp.int32)[:, None]
    position_ids = jnp.broadcast_to(position_ids, (S, B))
    position_embeddings = jnp.take(table, position_ids, axis=0)
    return position_embeddings

if __name__ == "__main__":
    import jax
    _d = setup_inputs()
    print(jax.jit(kernel)(*tuple(_d.values())))

</pallas_src>

<mosaic_0001>
#map = affine_map<(d0, d1) -> (0, 0)>
module attributes {stable_mosaic.version = 14 : i64} {
  func.func @sc_copy(%arg0: i32, %arg1: i32, %arg2: memref<4096x1024xf32, #tpu.memory_space<hbm>>, %arg3: memref<4096x4096xf32, #tpu.memory_space<hbm>>, %arg4: memref<32x1024xf32, #tpu.memory_space<vmem>>, %arg5: memref<32x1024xf32, #tpu.memory_space<vmem>>, %arg6: memref<32x1024xf32, #tpu.memory_space<vmem>>, %arg7: memref<256x1024xf32, #tpu.memory_space<vmem_shared>>, %arg8: memref<256x1024xf32, #tpu.memory_space<vmem_shared>>, %arg9: memref<!tpu.dma_semaphore, #tpu.memory_space<semaphore_mem>>, %arg10: memref<!tpu.dma_semaphore, #tpu.memory_space<semaphore_mem>>, %arg11: memref<!tpu.dma_semaphore, #tpu.memory_space<semaphore_mem>>, %arg12: memref<!tpu.dma_semaphore, #tpu.memory_space<semaphore_mem>>, %arg13: memref<!tpu.dma_semaphore, #tpu.memory_space<semaphore_mem>>, %arg14: memref<!tpu.dma_semaphore, #tpu.memory_space<semaphore_mem>>) attributes {dimension_semantics = [#tpu.dimension_semantics<core_parallel>, #tpu.dimension_semantics<subcore_parallel>], iteration_bounds = array<i64: 2, 16>, scalar_prefetch = 0 : i64, scratch_operands = 11 : i64, tpu.core_type = #tpu.core_type<sc_vector_subcore>, window_params = [{transform_indices = #map}, {transform_indices = #map}]} {
    %mul3A = arith.constant 2048 : i32
    %mul3A_0 = arith.muli %arg0, %mul3A : i32
    %eq3A = arith.constant 0 : i32
    %eq3A_1 = arith.cmpi eq, %arg1, %eq3A : i32
    %convert_element_type3A = arith.extui %eq3A_1 : i1 to i32
    %cond3A = arith.constant 0 : i32
    %cond3A_2 = arith.cmpi ne, %convert_element_type3A, %cond3A : i32
    scf.if %cond3A_2 {
      %add3A = arith.constant 256 : i32
      %add3A_7 = arith.addi %mul3A_0, %add3A : i32
      %add3A_8 = arith.constant 256 : i32
      %add3A_9 = arith.addi %add3A_7, %add3A_8 : i32
      %dma_start3A = arith.constant 0 : i32
      %dma_start3A_10 = arith.constant 0 : i32
      %dma_start3A_11 = tpu.memref_slice %arg7[%dma_start3A, %dma_start3A_10] : memref<256x1024xf32, #tpu.memory_space<vmem_shared>> -> memref<256x1024xf32, #tpu.memory_space<vmem_shared>>
      %dma_start3A_12 = arith.constant 0 : i32
      %dma_start3A_13 = tpu.memref_slice %arg2[%mul3A_0, %dma_start3A_12] : memref<4096x1024xf32, #tpu.memory_space<hbm>> -> memref<256x1024xf32, #tpu.memory_space<hbm>>
      tpu.enqueue_dma source(%dma_start3A_13 : memref<256x1024xf32, #tpu.memory_space<hbm>>) target(%dma_start3A_11 : memref<256x1024xf32, #tpu.memory_space<vmem_shared>>) target_semaphore(%arg9 : memref<!tpu.dma_semaphore, #tpu.memory_space<semaphore_mem>>)
      %dma_start3A_14 = arith.constant 0 : i32
      %dma_start3A_15 = arith.constant 0 : i32
      %dma_start3A_16 = tpu.memref_slice %arg8[%dma_start3A_14, %dma_start3A_15] : memref<256x1024xf32, #tpu.memory_space<vmem_shared>> -> memref<256x1024xf32, #tpu.memory_space<vmem_shared>>
      %dma_start3A_17 = arith.constant 0 : i32
      %dma_start3A_18 = tpu.memref_slice %arg2[%add3A_7, %dma_start3A_17] : memref<4096x1024xf32, #tpu.memory_space<hbm>> -> memref<256x1024xf32, #tpu.memory_space<hbm>>
      tpu.enqueue_dma source(%dma_start3A_18 : memref<256x1024xf32, #tpu.memory_space<hbm>>) target(%dma_start3A_16 : memref<256x1024xf32, #tpu.memory_space<vmem_shared>>) target_semaphore(%arg10 : memref<!tpu.dma_semaphore, #tpu.memory_space<semaphore_mem>>)
      %dma_wait3A = arith.constant 0 : i32
      %dma_wait3A_19 = arith.constant 0 : i32
      %dma_wait3A_20 = tpu.memref_slice %arg7[%dma_wait3A, %dma_wait3A_19] : memref<256x1024xf32, #tpu.memory_space<vmem_shared>> -> memref<256x1024xf32, #tpu.memory_space<vmem_shared>>
      %dma_wait3A_21 = arith.constant 0 : i32
      %dma_wait3A_22 = tpu.memref_slice %arg2[%mul3A_0, %dma_wait3A_21] : memref<4096x1024xf32, #tpu.memory_space<hbm>> -> memref<256x1024xf32, #tpu.memory_space<hbm>>
      tpu.wait_dma2 semaphore(%arg9 : memref<!tpu.dma_semaphore, #tpu.memory_space<semaphore_mem>>) src(%dma_wait3A_22 : memref<256x1024xf32, #tpu.memory_space<hbm>>) dst(%dma_wait3A_20 : memref<256x1024xf32, #tpu.memory_space<vmem_shared>>)
      %dma_start3A_23 = arith.constant 0 : i32
      %dma_start3A_24 = tpu.memref_slice %arg3[%mul3A_0, %dma_start3A_23] : memref<4096x4096xf32, #tpu.memory_space<hbm>> -> memref<256x1024xf32, #tpu.memory_space<hbm>>
      %dma_start3A_25 = arith.constant 0 : i32
      %dma_start3A_26 = arith.constant 0 : i32
      %dma_start3A_27 = tpu.memref_slice %arg7[%dma_start3A_25, %dma_start3A_26] : memref<256x1024xf32, #tpu.memory_space<vmem_shared>> -> memref<256x1024xf32, #tpu.memory_space<vmem_shared>>
      tpu.enqueue_dma source(%dma_start3A_27 : memref<256x1024xf32, #tpu.memory_space<vmem_shared>>) target(%dma_start3A_24 : memref<256x1024xf32, #tpu.memory_space<hbm>>) target_semaphore(%arg12 : memref<!tpu.dma_semaphore, #tpu.memory_space<semaphore_mem>>)
      %dma_start3A_28 = arith.constant 1024 : i32
      %dma_start3A_29 = tpu.memref_slice %arg3[%mul3A_0, %dma_start3A_28] : memref<4096x4096xf32, #tpu.memory_space<hbm>> -> memref<256x1024xf32, #tpu.memory_space<hbm>>
      %dma_start3A_30 = arith.constant 0 : i32
      %dma_start3A_31 = arith.constant 0 : i32
      %dma_start3A_32 = tpu.memref_slice %arg7[%dma_start3A_30, %dma_start3A_31] : memref<256x1024xf32, #tpu.memory_space<vmem_shared>> -> memref<256x1024xf32, #tpu.memory_space<vmem_shared>>
      tpu.enqueue_dma source(%dma_start3A_32 : memref<256x1024xf32, #tpu.memory_space<vmem_shared>>) target(%dma_start3A_29 : memref<256x1024xf32, #tpu.memory_space<hbm>>) target_semaphore(%arg12 : memref<!tpu.dma_semaphore, #tpu.memory_space<semaphore_mem>>)
      %dma_start3A_33 = arith.constant 2048 : i32
      %dma_start3A_34 = tpu.memref_slice %arg3[%mul3A_0, %dma_start3A_33] : memref<4096x4096xf32, #tpu.memory_space<hbm>> -> memref<256x1024xf32, #tpu.memory_space<hbm>>
      %dma_start3A_35 = arith.constant 0 : i32
      %dma_start3A_36 = arith.constant 0 : i32
      %dma_start3A_37 = tpu.memref_slice %arg7[%dma_start3A_35, %dma_start3A_36] : memref<256x1024xf32, #tpu.memory_space<vmem_shared>> -> memref<256x1024xf32, #tpu.memory_space<vmem_shared>>
      tpu.enqueue_dma source(%dma_start3A_37 : memref<256x1024xf32, #tpu.memory_space<vmem_shared>>) target(%dma_start3A_34 : memref<256x1024xf32, #tpu.memory_space<hbm>>) target_semaphore(%arg12 : memref<!tpu.dma_semaphore, #tpu.memory_space<semaphore_mem>>)
      %dma_start3A_38 = arith.constant 3072 : i32
      %dma_start3A_39 = tpu.memref_slice %arg3[%mul3A_0, %dma_start3A_38] : memref<4096x4096xf32, #tpu.memory_space<hbm>> -> memref<256x1024xf32, #tpu.memory_space<hbm>>
      %dma_start3A_40 = arith.constant 0 : i32
      %dma_start3A_41 = arith.constant 0 : i32
      %dma_start3A_42 = tpu.memref_slice %arg7[%dma_start3A_40, %dma_start3A_41] : memref<256x1024xf32, #tpu.memory_space<vmem_shared>> -> memref<256x1024xf32, #tpu.memory_space<vmem_shared>>
      tpu.enqueue_dma source(%dma_start3A_42 : memref<256x1024xf32, #tpu.memory_space<vmem_shared>>) target(%dma_start3A_39 : memref<256x1024xf32, #tpu.memory_space<hbm>>) target_semaphore(%arg12 : memref<!tpu.dma_semaphore, #tpu.memory_space<semaphore_mem>>)
      %dma_wait3A_43 = arith.constant 0 : i32
      %dma_wait3A_44 = tpu.memref_slice %arg3[%mul3A_0, %dma_wait3A_43] : memref<4096x4096xf32, #tpu.memory_space<hbm>> -> memref<256x1024xf32, #tpu.memory_space<hbm>>
      %dma_wait3A_45 = arith.constant 0 : i32
      %dma_wait3A_46 = arith.constant 0 : i32
      %dma_wait3A_47 = tpu.memref_slice %arg7[%dma_wait3A_45, %dma_wait3A_46] : memref<256x1024xf32, #tpu.memory_space<vmem_shared>> -> memref<256x1024xf32, #tpu.memory_space<vmem_shared>>
      tpu.wait_dma2 semaphore(%arg12 : memref<!tpu.dma_semaphore, #tpu.memory_space<semaphore_mem>>) src(%dma_wait3A_47 : memref<256x1024xf32, #tpu.memory_space<vmem_shared>>) dst(%dma_wait3A_44 : memref<256x1024xf32, #tpu.memory_space<hbm>>)
      %dma_wait3A_48 = arith.constant 1024 : i32
      %dma_wait3A_49 = tpu.memref_slice %arg3[%mul3A_0, %dma_wait3A_48] : memref<4096x4096xf32, #tpu.memory_space<hbm>> -> memref<256x1024xf32, #tpu.memory_space<hbm>>
      %dma_wait3A_50 = arith.constant 0 : i32
      %dma_wait3A_51 = arith.constant 0 : i32
      %dma_wait3A_52 = tpu.memref_slice %arg7[%dma_wait3A_50, %dma_wait3A_51] : memref<256x1024xf32, #tpu.memory_space<vmem_shared>> -> memref<256x1024xf32, #tpu.memory_space<vmem_shared>>
      tpu.wait_dma2 semaphore(%arg12 : memref<!tpu.dma_semaphore, #tpu.memory_space<semaphore_mem>>) src(%dma_wait3A_52 : memref<256x1024xf32, #tpu.memory_space<vmem_shared>>) dst(%dma_wait3A_49 : memref<256x1024xf32, #tpu.memory_space<hbm>>)
      %dma_wait3A_53 = arith.constant 2048 : i32
      %dma_wait3A_54 = tpu.memref_slice %arg3[%mul3A_0, %dma_wait3A_53] : memref<4096x4096xf32, #tpu.memory_space<hbm>> -> memref<256x1024xf32, #tpu.memory_space<hbm>>
      %dma_wait3A_55 = arith.constant 0 : i32
      %dma_wait3A_56 = arith.constant 0 : i32
      %dma_wait3A_57 = tpu.memref_slice %arg7[%dma_wait3A_55, %dma_wait3A_56] : memref<256x1024xf32, #tpu.memory_space<vmem_shared>> -> memref<256x1024xf32, #tpu.memory_space<vmem_shared>>
      tpu.wait_dma2 semaphore(%arg12 : memref<!tpu.dma_semaphore, #tpu.memory_space<semaphore_mem>>) src(%dma_wait3A_57 : memref<256x1024xf32, #tpu.memory_space<vmem_shared>>) dst(%dma_wait3A_54 : memref<256x1024xf32, #tpu.memory_space<hbm>>)
      %dma_wait3A_58 = arith.constant 3072 : i32
      %dma_wait3A_59 = tpu.memref_slice %arg3[%mul3A_0, %dma_wait3A_58] : memref<4096x4096xf32, #tpu.memory_space<hbm>> -> memref<256x1024xf32, #tpu.memory_space<hbm>>
      %dma_wait3A_60 = arith.constant 0 : i32
      %dma_wait3A_61 = arith.constant 0 : i32
      %dma_wait3A_62 = tpu.memref_slice %arg7[%dma_wait3A_60, %dma_wait3A_61] : memref<256x1024xf32, #tpu.memory_space<vmem_shared>> -> memref<256x1024xf32, #tpu.memory_space<vmem_shared>>
      tpu.wait_dma2 semaphore(%arg12 : memref<!tpu.dma_semaphore, #tpu.memory_space<semaphore_mem>>) src(%dma_wait3A_62 : memref<256x1024xf32, #tpu.memory_space<vmem_shared>>) dst(%dma_wait3A_59 : memref<256x1024xf32, #tpu.memory_space<hbm>>)
      %dma_start3A_63 = arith.constant 0 : i32
      %dma_start3A_64 = arith.constant 0 : i32
      %dma_start3A_65 = tpu.memref_slice %arg7[%dma_start3A_63, %dma_start3A_64] : memref<256x1024xf32, #tpu.memory_space<vmem_shared>> -> memref<216x1024xf32, #tpu.memory_space<vmem_shared>>
      %dma_start3A_66 = arith.constant 0 : i32
      %dma_start3A_67 = tpu.memref_slice %arg2[%add3A_9, %dma_start3A_66] : memref<4096x1024xf32, #tpu.memory_space<hbm>> -> memref<216x1024xf32, #tpu.memory_space<hbm>>
      tpu.enqueue_dma source(%dma_start3A_67 : memref<216x1024xf32, #tpu.memory_space<hbm>>) target(%dma_start3A_65 : memref<216x1024xf32, #tpu.memory_space<vmem_shared>>) target_semaphore(%arg9 : memref<!tpu.dma_semaphore, #tpu.memory_space<semaphore_mem>>)
      %dma_wait3A_68 = arith.constant 0 : i32
      %dma_wait3A_69 = arith.constant 0 : i32
      %dma_wait3A_70 = tpu.memref_slice %arg8[%dma_wait3A_68, %dma_wait3A_69] : memref<256x1024xf32, #tpu.memory_space<vmem_shared>> -> memref<256x1024xf32, #tpu.memory_space<vmem_shared>>
      %dma_wait3A_71 = arith.constant 0 : i32
      %dma_wait3A_72 = tpu.memref_slice %arg2[%add3A_7, %dma_wait3A_71] : memref<4096x1024xf32, #tpu.memory_space<hbm>> -> memref<256x1024xf32, #tpu.memory_space<hbm>>
      tpu.wait_dma2 semaphore(%arg10 : memref<!tpu.dma_semaphore, #tpu.memory_space<semaphore_mem>>) src(%dma_wait3A_72 : memref<256x1024xf32, #tpu.memory_space<hbm>>) dst(%dma_wait3A_70 : memref<256x1024xf32, #tpu.memory_space<vmem_shared>>)
      %dma_start3A_73 = arith.constant 0 : i32
      %dma_start3A_74 = tpu.memref_slice %arg3[%add3A_7, %dma_start3A_73] : memref<4096x4096xf32, #tpu.memory_space<hbm>> -> memref<256x1024xf32, #tpu.memory_space<hbm>>
      %dma_start3A_75 = arith.constant 0 : i32
      %dma_start3A_76 = arith.constant 0 : i32
      %dma_start3A_77 = tpu.memref_slice %arg8[%dma_start3A_75, %dma_start3A_76] : memref<256x1024xf32, #tpu.memory_space<vmem_shared>> -> memref<256x1024xf32, #tpu.memory_space<vmem_shared>>
      tpu.enqueue_dma source(%dma_start3A_77 : memref<256x1024xf32, #tpu.memory_space<vmem_shared>>) target(%dma_start3A_74 : memref<256x1024xf32, #tpu.memory_space<hbm>>) target_semaphore(%arg13 : memref<!tpu.dma_semaphore, #tpu.memory_space<semaphore_mem>>)
      %dma_start3A_78 = arith.constant 1024 : i32
      %dma_start3A_79 = tpu.memref_slice %arg3[%add3A_7, %dma_start3A_78] : memref<4096x4096xf32, #tpu.memory_space<hbm>> -> memref<256x1024xf32, #tpu.memory_space<hbm>>
      %dma_start3A_80 = arith.constant 0 : i32
      %dma_start3A_81 = arith.constant 0 : i32
      %dma_start3A_82 = tpu.memref_slice %arg8[%dma_start3A_80, %dma_start3A_81] : memref<256x1024xf32, #tpu.memory_space<vmem_shared>> -> memref<256x1024xf32, #tpu.memory_space<vmem_shared>>
      tpu.enqueue_dma source(%dma_start3A_82 : memref<256x1024xf32, #tpu.memory_space<vmem_shared>>) target(%dma_start3A_79 : memref<256x1024xf32, #tpu.memory_space<hbm>>) target_semaphore(%arg13 : memref<!tpu.dma_semaphore, #tpu.memory_space<semaphore_mem>>)
      %dma_start3A_83 = arith.constant 2048 : i32
      %dma_start3A_84 = tpu.memref_slice %arg3[%add3A_7, %dma_start3A_83] : memref<4096x4096xf32, #tpu.memory_space<hbm>> -> memref<256x1024xf32, #tpu.memory_space<hbm>>
      %dma_start3A_85 = arith.constant 0 : i32
      %dma_start3A_86 = arith.constant 0 : i32
      %dma_start3A_87 = tpu.memref_slice %arg8[%dma_start3A_85, %dma_start3A_86] : memref<256x1024xf32, #tpu.memory_space<vmem_shared>> -> memref<256x1024xf32, #tpu.memory_space<vmem_shared>>
      tpu.enqueue_dma source(%dma_start3A_87 : memref<256x1024xf32, #tpu.memory_space<vmem_shared>>) target(%dma_start3A_84 : memref<256x1024xf32, #tpu.memory_space<hbm>>) target_semaphore(%arg13 : memref<!tpu.dma_semaphore, #tpu.memory_space<semaphore_mem>>)
      %dma_start3A_88 = arith.constant 3072 : i32
      %dma_start3A_89 = tpu.memref_slice %arg3[%add3A_7, %dma_start3A_88] : memref<4096x4096xf32, #tpu.memory_space<hbm>> -> memref<256x1024xf32, #tpu.memory_space<hbm>>
      %dma_start3A_90 = arith.constant 0 : i32
      %dma_start3A_91 = arith.constant 0 : i32
      %dma_start3A_92 = tpu.memref_slice %arg8[%dma_start3A_90, %dma_start3A_91] : memref<256x1024xf32, #tpu.memory_space<vmem_shared>> -> memref<256x1024xf32, #tpu.memory_space<vmem_shared>>
      tpu.enqueue_dma source(%dma_start3A_92 : memref<256x1024xf32, #tpu.memory_space<vmem_shared>>) target(%dma_start3A_89 : memref<256x1024xf32, #tpu.memory_space<hbm>>) target_semaphore(%arg13 : memref<!tpu.dma_semaphore, #tpu.memory_space<semaphore_mem>>)
      %dma_wait3A_93 = arith.constant 0 : i32
      %dma_wait3A_94 = arith.constant 0 : i32
      %dma_wait3A_95 = tpu.memref_slice %arg7[%dma_wait3A_93, %dma_wait3A_94] : memref<256x1024xf32, #tpu.memory_space<vmem_shared>> -> memref<216x1024xf32, #tpu.memory_space<vmem_shared>>
      %dma_wait3A_96 = arith.constant 0 : i32
      %dma_wait3A_97 = tpu.memref_slice %arg2[%add3A_9, %dma_wait3A_96] : memref<4096x1024xf32, #tpu.memory_space<hbm>> -> memref<216x1024xf32, #tpu.memory_space<hbm>>
      tpu.wait_dma2 semaphore(%arg9 : memref<!tpu.dma_semaphore, #tpu.memory_space<semaphore_mem>>) src(%dma_wait3A_97 : memref<216x1024xf32, #tpu.memory_space<hbm>>) dst(%dma_wait3A_95 : memref<216x1024xf32, #tpu.memory_space<vmem_shared>>)
      %dma_start3A_98 = arith.constant 0 : i32
      %dma_start3A_99 = tpu.memref_slice %arg3[%add3A_9, %dma_start3A_98] : memref<4096x4096xf32, #tpu.memory_space<hbm>> -> memref<216x1024xf32, #tpu.memory_space<hbm>>
      %dma_start3A_100 = arith.constant 0 : i32
      %dma_start3A_101 = arith.constant 0 : i32
      %dma_start3A_102 = tpu.memref_slice %arg7[%dma_start3A_100, %dma_start3A_101] : memref<256x1024xf32, #tpu.memory_space<vmem_shared>> -> memref<216x1024xf32, #tpu.memory_space<vmem_shared>>
      tpu.enqueue_dma source(%dma_start3A_102 : memref<216x1024xf32, #tpu.memory_space<vmem_shared>>) target(%dma_start3A_99 : memref<216x1024xf32, #tpu.memory_space<hbm>>) target_semaphore(%arg12 : memref<!tpu.dma_semaphore, #tpu.memory_space<semaphore_mem>>)
      %dma_start3A_103 = arith.constant 1024 : i32
      %dma_start3A_104 = tpu.memref_slice %arg3[%add3A_9, %dma_start3A_103] : memref<4096x4096xf32, #tpu.memory_space<hbm>> -> memref<216x1024xf32, #tpu.memory_space<hbm>>
      %dma_start3A_105 = arith.constant 0 : i32
      %dma_start3A_106 = arith.constant 0 : i32
      %dma_start3A_107 = tpu.memref_slice %arg7[%dma_start3A_105, %dma_start3A_106] : memref<256x1024xf32, #tpu.memory_space<vmem_shared>> -> memref<216x1024xf32, #tpu.memory_space<vmem_shared>>
      tpu.enqueue_dma source(%dma_start3A_107 : memref<216x1024xf32, #tpu.memory_space<vmem_shared>>) target(%dma_start3A_104 : memref<216x1024xf32, #tpu.memory_space<hbm>>) target_semaphore(%arg12 : memref<!tpu.dma_semaphore, #tpu.memory_space<semaphore_mem>>)
      %dma_start3A_108 = arith.constant 2048 : i32
      %dma_start3A_109 = tpu.memref_slice %arg3[%add3A_9, %dma_start3A_108] : memref<4096x4096xf32, #tpu.memory_space<hbm>> -> memref<216x1024xf32, #tpu.memory_space<hbm>>
      %dma_start3A_110 = arith.constant 0 : i32
      %dma_start3A_111 = arith.constant 0 : i32
      %dma_start3A_112 = tpu.memref_slice %arg7[%dma_start3A_110, %dma_start3A_111] : memref<256x1024xf32, #tpu.memory_space<vmem_shared>> -> memref<216x1024xf32, #tpu.memory_space<vmem_shared>>
      tpu.enqueue_dma source(%dma_start3A_112 : memref<216x1024xf32, #tpu.memory_space<vmem_shared>>) target(%dma_start3A_109 : memref<216x1024xf32, #tpu.memory_space<hbm>>) target_semaphore(%arg12 : memref<!tpu.dma_semaphore, #tpu.memory_space<semaphore_mem>>)
      %dma_start3A_113 = arith.constant 3072 : i32
      %dma_start3A_114 = tpu.memref_slice %arg3[%add3A_9, %dma_start3A_113] : memref<4096x4096xf32, #tpu.memory_space<hbm>> -> memref<216x1024xf32, #tpu.memory_space<hbm>>
      %dma_start3A_115 = arith.constant 0 : i32
      %dma_start3A_116 = arith.constant 0 : i32
      %dma_start3A_117 = tpu.memref_slice %arg7[%dma_start3A_115, %dma_start3A_116] : memref<256x1024xf32, #tpu.memory_space<vmem_shared>> -> memref<216x1024xf32, #tpu.memory_space<vmem_shared>>
      tpu.enqueue_dma source(%dma_start3A_117 : memref<216x1024xf32, #tpu.memory_space<vmem_shared>>) target(%dma_start3A_114 : memref<216x1024xf32, #tpu.memory_space<hbm>>) target_semaphore(%arg12 : memref<!tpu.dma_semaphore, #tpu.memory_space<semaphore_mem>>)
      %dma_wait3A_118 = arith.constant 0 : i32
      %dma_wait3A_119 = tpu.memref_slice %arg3[%add3A_7, %dma_wait3A_118] : memref<4096x4096xf32, #tpu.memory_space<hbm>> -> memref<256x1024xf32, #tpu.memory_space<hbm>>
      %dma_wait3A_120 = arith.constant 0 : i32
      %dma_wait3A_121 = arith.constant 0 : i32
      %dma_wait3A_122 = tpu.memref_slice %arg8[%dma_wait3A_120, %dma_wait3A_121] : memref<256x1024xf32, #tpu.memory_space<vmem_shared>> -> memref<256x1024xf32, #tpu.memory_space<vmem_shared>>
      tpu.wait_dma2 semaphore(%arg13 : memref<!tpu.dma_semaphore, #tpu.memory_space<semaphore_mem>>) src(%dma_wait3A_122 : memref<256x1024xf32, #tpu.memory_space<vmem_shared>>) dst(%dma_wait3A_119 : memref<256x1024xf32, #tpu.memory_space<hbm>>)
      %dma_wait3A_123 = arith.constant 1024 : i32
      %dma_wait3A_124 = tpu.memref_slice %arg3[%add3A_7, %dma_wait3A_123] : memref<4096x4096xf32, #tpu.memory_space<hbm>> -> memref<256x1024xf32, #tpu.memory_space<hbm>>
      %dma_wait3A_125 = arith.constant 0 : i32
      %dma_wait3A_126 = arith.constant 0 : i32
      %dma_wait3A_127 = tpu.memref_slice %arg8[%dma_wait3A_125, %dma_wait3A_126] : memref<256x1024xf32, #tpu.memory_space<vmem_shared>> -> memref<256x1024xf32, #tpu.memory_space<vmem_shared>>
      tpu.wait_dma2 semaphore(%arg13 : memref<!tpu.dma_semaphore, #tpu.memory_space<semaphore_mem>>) src(%dma_wait3A_127 : memref<256x1024xf32, #tpu.memory_space<vmem_shared>>) dst(%dma_wait3A_124 : memref<256x1024xf32, #tpu.memory_space<hbm>>)
      %dma_wait3A_128 = arith.constant 2048 : i32
      %dma_wait3A_129 = tpu.memref_slice %arg3[%add3A_7, %dma_wait3A_128] : memref<4096x4096xf32, #tpu.memory_space<hbm>> -> memref<256x1024xf32, #tpu.memory_space<hbm>>
      %dma_wait3A_130 = arith.constant 0 : i32
      %dma_wait3A_131 = arith.constant 0 : i32
      %dma_wait3A_132 = tpu.memref_slice %arg8[%dma_wait3A_130, %dma_wait3A_131] : memref<256x1024xf32, #tpu.memory_space<vmem_shared>> -> memref<256x1024xf32, #tpu.memory_space<vmem_shared>>
      tpu.wait_dma2 semaphore(%arg13 : memref<!tpu.dma_semaphore, #tpu.memory_space<semaphore_mem>>) src(%dma_wait3A_132 : memref<256x1024xf32, #tpu.memory_space<vmem_shared>>) dst(%dma_wait3A_129 : memref<256x1024xf32, #tpu.memory_space<hbm>>)
      %dma_wait3A_133 = arith.constant 3072 : i32
      %dma_wait3A_134 = tpu.memref_slice %arg3[%add3A_7, %dma_wait3A_133] : memref<4096x4096xf32, #tpu.memory_space<hbm>> -> memref<256x1024xf32, #tpu.memory_space<hbm>>
      %dma_wait3A_135 = arith.constant 0 : i32
      %dma_wait3A_136 = arith.constant 0 : i32
      %dma_wait3A_137 = tpu.memref_slice %arg8[%dma_wait3A_135, %dma_wait3A_136] : memref<256x1024xf32, #tpu.memory_space<vmem_shared>> -> memref<256x1024xf32, #tpu.memory_space<vmem_shared>>
      tpu.wait_dma2 semaphore(%arg13 : memref<!tpu.dma_semaphore, #tpu.memory_space<semaphore_mem>>) src(%dma_wait3A_137 : memref<256x1024xf32, #tpu.memory_space<vmem_shared>>) dst(%dma_wait3A_134 : memref<256x1024xf32, #tpu.memory_space<hbm>>)
      %dma_wait3A_138 = arith.constant 0 : i32
      %dma_wait3A_139 = tpu.memref_slice %arg3[%add3A_9, %dma_wait3A_138] : memref<4096x4096xf32, #tpu.memory_space<hbm>> -> memref<216x1024xf32, #tpu.memory_space<hbm>>
      %dma_wait3A_140 = arith.constant 0 : i32
      %dma_wait3A_141 = arith.constant 0 : i32
      %dma_wait3A_142 = tpu.memref_slice %arg7[%dma_wait3A_140, %dma_wait3A_141] : memref<256x1024xf32, #tpu.memory_space<vmem_shared>> -> memref<216x1024xf32, #tpu.memory_space<vmem_shared>>
      tpu.wait_dma2 semaphore(%arg12 : memref<!tpu.dma_semaphore, #tpu.memory_space<semaphore_mem>>) src(%dma_wait3A_142 : memref<216x1024xf32, #tpu.memory_space<vmem_shared>>) dst(%dma_wait3A_139 : memref<216x1024xf32, #tpu.memory_space<hbm>>)
      %dma_wait3A_143 = arith.constant 1024 : i32
      %dma_wait3A_144 = tpu.memref_slice %arg3[%add3A_9, %dma_wait3A_143] : memref<4096x4096xf32, #tpu.memory_space<hbm>> -> memref<216x1024xf32, #tpu.memory_space<hbm>>
      %dma_wait3A_145 = arith.constant 0 : i32
      %dma_wait3A_146 = arith.constant 0 : i32
      %dma_wait3A_147 = tpu.memref_slice %arg7[%dma_wait3A_145, %dma_wait3A_146] : memref<256x1024xf32, #tpu.memory_space<vmem_shared>> -> memref<216x1024xf32, #tpu.memory_space<vmem_shared>>
      tpu.wait_dma2 semaphore(%arg12 : memref<!tpu.dma_semaphore, #tpu.memory_space<semaphore_mem>>) src(%dma_wait3A_147 : memref<216x1024xf32, #tpu.memory_space<vmem_shared>>) dst(%dma_wait3A_144 : memref<216x1024xf32, #tpu.memory_space<hbm>>)
      %dma_wait3A_148 = arith.constant 2048 : i32
      %dma_wait3A_149 = tpu.memref_slice %arg3[%add3A_9, %dma_wait3A_148] : memref<4096x4096xf32, #tpu.memory_space<hbm>> -> memref<216x1024xf32, #tpu.memory_space<hbm>>
      %dma_wait3A_150 = arith.constant 0 : i32
      %dma_wait3A_151 = arith.constant 0 : i32
      %dma_wait3A_152 = tpu.memref_slice %arg7[%dma_wait3A_150, %dma_wait3A_151] : memref<256x1024xf32, #tpu.memory_space<vmem_shared>> -> memref<216x1024xf32, #tpu.memory_space<vmem_shared>>
      tpu.wait_dma2 semaphore(%arg12 : memref<!tpu.dma_semaphore, #tpu.memory_space<semaphore_mem>>) src(%dma_wait3A_152 : memref<216x1024xf32, #tpu.memory_space<vmem_shared>>) dst(%dma_wait3A_149 : memref<216x1024xf32, #tpu.memory_space<hbm>>)
      %dma_wait3A_153 = arith.constant 3072 : i32
      %dma_wait3A_154 = tpu.memref_slice %arg3[%add3A_9, %dma_wait3A_153] : memref<4096x4096xf32, #tpu.memory_space<hbm>> -> memref<216x1024xf32, #tpu.memory_space<hbm>>
      %dma_wait3A_155 = arith.constant 0 : i32
      %dma_wait3A_156 = arith.constant 0 : i32
      %dma_wait3A_157 = tpu.memref_slice %arg7[%dma_wait3A_155, %dma_wait3A_156] : memref<256x1024xf32, #tpu.memory_space<vmem_shared>> -> memref<216x1024xf32, #tpu.memory_space<vmem_shared>>
      tpu.wait_dma2 semaphore(%arg12 : memref<!tpu.dma_semaphore, #tpu.memory_space<semaphore_mem>>) src(%dma_wait3A_157 : memref<216x1024xf32, #tpu.memory_space<vmem_shared>>) dst(%dma_wait3A_154 : memref<216x1024xf32, #tpu.memory_space<hbm>>)
    } else {
    }
    %ne3A = arith.constant 0 : i32
    %ne3A_3 = arith.cmpi ne, %arg1, %ne3A : i32
    %convert_element_type3A_4 = arith.extui %ne3A_3 : i1 to i32
    %cond3A_5 = arith.constant 0 : i32
    %cond3A_6 = arith.cmpi ne, %convert_element_type3A_4, %cond3A_5 : i32
    scf.if %cond3A_6 {
      %add3A = arith.constant 728 : i32
      %add3A_7 = arith.addi %mul3A_0, %add3A : i32
      %sub3A = arith.constant 1 : i32
      %sub3A_8 = arith.subi %arg1, %sub3A : i32
      %mul3A_9 = arith.constant 88 : i32
      %mul3A_10 = arith.muli %sub3A_8, %mul3A_9 : i32
      %add3A_11 = arith.addi %add3A_7, %mul3A_10 : i32
      %add3A_12 = arith.constant 32 : i32
      %add3A_13 = arith.addi %add3A_11, %add3A_12 : i32
      %add3A_14 = arith.constant 32 : i32
      %add3A_15 = arith.addi %add3A_13, %add3A_14 : i32
      %dma_start3A = arith.constant 0 : i32
      %dma_start3A_16 = arith.constant 0 : i32
      %dma_start3A_17 = tpu.memref_slice %arg4[%dma_start3A, %dma_start3A_16] : memref<32x1024xf32, #tpu.memory_space<vmem>> -> memref<32x1024xf32, #tpu.memory_space<vmem>>
      %dma_start3A_18 = arith.constant 0 : i32
      %dma_start3A_19 = tpu.memref_slice %arg2[%add3A_11, %dma_start3A_18] : memref<4096x1024xf32, #tpu.memory_space<hbm>> -> memref<32x1024xf32, #tpu.memory_space<hbm>>
      %dma_start3A_20 = arith.constant 0 : i32
      %dma_start3A_21 = arith.constant 0 : i32
      %dma_start3A_22 = tpu.memref_slice %arg4[%dma_start3A_20, %dma_start3A_21] : memref<32x1024xf32, #tpu.memory_space<vmem>> -> memref<32x1024xf32, #tpu.memory_space<vmem>>
      %dma_start3A_23 = arith.constant 0 : i32
      %dma_start3A_24 = tpu.memref_slice %arg2[%add3A_11, %dma_start3A_23] : memref<4096x1024xf32, #tpu.memory_space<hbm>> -> memref<32x1024xf32, #tpu.memory_space<hbm>>
      tpu.enqueue_dma source(%dma_start3A_24 : memref<32x1024xf32, #tpu.memory_space<hbm>>) target(%dma_start3A_22 : memref<32x1024xf32, #tpu.memory_space<vmem>>) target_semaphore(%arg9 : memref<!tpu.dma_semaphore, #tpu.memory_space<semaphore_mem>>)
      %dma_start3A_25 = arith.constant 0 : i32
      %dma_start3A_26 = arith.constant 0 : i32
      %dma_start3A_27 = tpu.memref_slice %arg5[%dma_start3A_25, %dma_start3A_26] : memref<32x1024xf32, #tpu.memory_space<vmem>> -> memref<32x1024xf32, #tpu.memory_space<vmem>>
      %dma_start3A_28 = arith.constant 0 : i32
      %dma_start3A_29 = tpu.memref_slice %arg2[%add3A_13, %dma_start3A_28] : memref<4096x1024xf32, #tpu.memory_space<hbm>> -> memref<32x1024xf32, #tpu.memory_space<hbm>>
      %dma_start3A_30 = arith.constant 0 : i32
      %dma_start3A_31 = arith.constant 0 : i32
      %dma_start3A_32 = tpu.memref_slice %arg5[%dma_start3A_30, %dma_start3A_31] : memref<32x1024xf32, #tpu.memory_space<vmem>> -> memref<32x1024xf32, #tpu.memory_space<vmem>>
      %dma_start3A_33 = arith.constant 0 : i32
      %dma_start3A_34 = tpu.memref_slice %arg2[%add3A_13, %dma_start3A_33] : memref<4096x1024xf32, #tpu.memory_space<hbm>> -> memref<32x1024xf32, #tpu.memory_space<hbm>>
      tpu.enqueue_dma source(%dma_start3A_34 : memref<32x1024xf32, #tpu.memory_space<hbm>>) target(%dma_start3A_32 : memref<32x1024xf32, #tpu.memory_space<vmem>>) target_semaphore(%arg10 : memref<!tpu.dma_semaphore, #tpu.memory_space<semaphore_mem>>)
      %dma_wait3A = arith.constant 0 : i32
      %dma_wait3A_35 = arith.constant 0 : i32
      %dma_wait3A_36 = tpu.memref_slice %arg4[%dma_wait3A, %dma_wait3A_35] : memref<32x1024xf32, #tpu.memory_space<vmem>> -> memref<32x1024xf32, #tpu.memory_space<vmem>>
      %dma_wait3A_37 = arith.constant 0 : i32
      %dma_wait3A_38 = tpu.memref_slice %arg2[%add3A_11, %dma_wait3A_37] : memref<4096x1024xf32, #tpu.memory_space<hbm>> -> memref<32x1024xf32, #tpu.memory_space<hbm>>
      %dma_wait3A_39 = arith.constant 0 : i32
      %dma_wait3A_40 = arith.constant 0 : i32
      %dma_wait3A_41 = tpu.memref_slice %arg4[%dma_wait3A_39, %dma_wait3A_40] : memref<32x1024xf32, #tpu.memory_space<vmem>> -> memref<32x1024xf32, #tpu.memory_space<vmem>>
      %dma_wait3A_42 = arith.constant 0 : i32
      %dma_wait3A_43 = tpu.memref_slice %arg2[%add3A_11, %dma_wait3A_42] : memref<4096x1024xf32, #tpu.memory_space<hbm>> -> memref<32x1024xf32, #tpu.memory_space<hbm>>
      tpu.wait_dma2 semaphore(%arg9 : memref<!tpu.dma_semaphore, #tpu.memory_space<semaphore_mem>>) src(%dma_wait3A_43 : memref<32x1024xf32, #tpu.memory_space<hbm>>) dst(%dma_wait3A_41 : memref<32x1024xf32, #tpu.memory_space<vmem>>)
      %dma_start3A_44 = arith.constant 0 : i32
      %dma_start3A_45 = arith.constant 0 : i32
      %dma_start3A_46 = tpu.memref_slice %arg4[%dma_start3A_44, %dma_start3A_45] : memref<32x1024xf32, #tpu.memory_space<vmem>> -> memref<32x1024xf32, #tpu.memory_space<vmem>>
      %dma_start3A_47 = arith.constant 0 : i32
      %dma_start3A_48 = tpu.memref_slice %arg3[%add3A_11, %dma_start3A_47] : memref<4096x4096xf32, #tpu.memory_space<hbm>> -> memref<32x1024xf32, #tpu.memory_space<hbm>>
      %dma_start3A_49 = arith.constant 0 : i32
      %dma_start3A_50 = tpu.memref_slice %arg3[%add3A_11, %dma_start3A_49] : memref<4096x4096xf32, #tpu.memory_space<hbm>> -> memref<32x1024xf32, #tpu.memory_space<hbm>>
      %dma_start3A_51 = arith.constant 0 : i32
      %dma_start3A_52 = arith.constant 0 : i32
      %dma_start3A_53 = tpu.memref_slice %arg4[%dma_start3A_51, %dma_start3A_52] : memref<32x1024xf32, #tpu.memory_space<vmem>> -> memref<32x1024xf32, #tpu.memory_space<vmem>>
      tpu.enqueue_dma source(%dma_start3A_53 : memref<32x1024xf32, #tpu.memory_space<vmem>>) target(%dma_start3A_50 : memref<32x1024xf32, #tpu.memory_space<hbm>>) target_semaphore(%arg12 : memref<!tpu.dma_semaphore, #tpu.memory_space<semaphore_mem>>)
      %dma_start3A_54 = arith.constant 0 : i32
      %dma_start3A_55 = arith.constant 0 : i32
      %dma_start3A_56 = tpu.memref_slice %arg4[%dma_start3A_54, %dma_start3A_55] : memref<32x1024xf32, #tpu.memory_space<vmem>> -> memref<32x1024xf32, #tpu.memory_space<vmem>>
      %dma_start3A_57 = arith.constant 1024 : i32
      %dma_start3A_58 = tpu.memref_slice %arg3[%add3A_11, %dma_start3A_57] : memref<4096x4096xf32, #tpu.memory_space<hbm>> -> memref<32x1024xf32, #tpu.memory_space<hbm>>
      %dma_start3A_59 = arith.constant 1024 : i32
      %dma_start3A_60 = tpu.memref_slice %arg3[%add3A_11, %dma_start3A_59] : memref<4096x4096xf32, #tpu.memory_space<hbm>> -> memref<32x1024xf32, #tpu.memory_space<hbm>>
      %dma_start3A_61 = arith.constant 0 : i32
      %dma_start3A_62 = arith.constant 0 : i32
      %dma_start3A_63 = tpu.memref_slice %arg4[%dma_start3A_61, %dma_start3A_62] : memref<32x1024xf32, #tpu.memory_space<vmem>> -> memref<32x1024xf32, #tpu.memory_space<vmem>>
      tpu.enqueue_dma source(%dma_start3A_63 : memref<32x1024xf32, #tpu.memory_space<vmem>>) target(%dma_start3A_60 : memref<32x1024xf32, #tpu.memory_space<hbm>>) target_semaphore(%arg12 : memref<!tpu.dma_semaphore, #tpu.memory_space<semaphore_mem>>)
      %dma_start3A_64 = arith.constant 0 : i32
      %dma_start3A_65 = arith.constant 0 : i32
      %dma_start3A_66 = tpu.memref_slice %arg4[%dma_start3A_64, %dma_start3A_65] : memref<32x1024xf32, #tpu.memory_space<vmem>> -> memref<32x1024xf32, #tpu.memory_space<vmem>>
      %dma_start3A_67 = arith.constant 2048 : i32
      %dma_start3A_68 = tpu.memref_slice %arg3[%add3A_11, %dma_start3A_67] : memref<4096x4096xf32, #tpu.memory_space<hbm>> -> memref<32x1024xf32, #tpu.memory_space<hbm>>
      %dma_start3A_69 = arith.constant 2048 : i32
      %dma_start3A_70 = tpu.memref_slice %arg3[%add3A_11, %dma_start3A_69] : memref<4096x4096xf32, #tpu.memory_space<hbm>> -> memref<32x1024xf32, #tpu.memory_space<hbm>>
      %dma_start3A_71 = arith.constant 0 : i32
      %dma_start3A_72 = arith.constant 0 : i32
      %dma_start3A_73 = tpu.memref_slice %arg4[%dma_start3A_71, %dma_start3A_72] : memref<32x1024xf32, #tpu.memory_space<vmem>> -> memref<32x1024xf32, #tpu.memory_space<vmem>>
      tpu.enqueue_dma source(%dma_start3A_73 : memref<32x1024xf32, #tpu.memory_space<vmem>>) target(%dma_start3A_70 : memref<32x1024xf32, #tpu.memory_space<hbm>>) target_semaphore(%arg12 : memref<!tpu.dma_semaphore, #tpu.memory_space<semaphore_mem>>)
      %dma_start3A_74 = arith.constant 0 : i32
      %dma_start3A_75 = arith.constant 0 : i32
      %dma_start3A_76 = tpu.memref_slice %arg4[%dma_start3A_74, %dma_start3A_75] : memref<32x1024xf32, #tpu.memory_space<vmem>> -> memref<32x1024xf32, #tpu.memory_space<vmem>>
      %dma_start3A_77 = arith.constant 3072 : i32
      %dma_start3A_78 = tpu.memref_slice %arg3[%add3A_11, %dma_start3A_77] : memref<4096x4096xf32, #tpu.memory_space<hbm>> -> memref<32x1024xf32, #tpu.memory_space<hbm>>
      %dma_start3A_79 = arith.constant 3072 : i32
      %dma_start3A_80 = tpu.memref_slice %arg3[%add3A_11, %dma_start3A_79] : memref<4096x4096xf32, #tpu.memory_space<hbm>> -> memref<32x1024xf32, #tpu.memory_space<hbm>>
      %dma_start3A_81 = arith.constant 0 : i32
      %dma_start3A_82 = arith.constant 0 : i32
      %dma_start3A_83 = tpu.memref_slice %arg4[%dma_start3A_81, %dma_start3A_82] : memref<32x1024xf32, #tpu.memory_space<vmem>> -> memref<32x1024xf32, #tpu.memory_space<vmem>>
      tpu.enqueue_dma source(%dma_start3A_83 : memref<32x1024xf32, #tpu.memory_space<vmem>>) target(%dma_start3A_80 : memref<32x1024xf32, #tpu.memory_space<hbm>>) target_semaphore(%arg12 : memref<!tpu.dma_semaphore, #tpu.memory_space<semaphore_mem>>)
      %dma_start3A_84 = arith.constant 0 : i32
      %dma_start3A_85 = arith.constant 0 : i32
      %dma_start3A_86 = tpu.memref_slice %arg6[%dma_start3A_84, %dma_start3A_85] : memref<32x1024xf32, #tpu.memory_space<vmem>> -> memref<24x1024xf32, #tpu.memory_space<vmem>>
      %dma_start3A_87 = arith.constant 0 : i32
      %dma_start3A_88 = tpu.memref_slice %arg2[%add3A_15, %dma_start3A_87] : memref<4096x1024xf32, #tpu.memory_space<hbm>> -> memref<24x1024xf32, #tpu.memory_space<hbm>>
      %dma_start3A_89 = arith.constant 0 : i32
      %dma_start3A_90 = arith.constant 0 : i32
      %dma_start3A_91 = tpu.memref_slice %arg6[%dma_start3A_89, %dma_start3A_90] : memref<32x1024xf32, #tpu.memory_space<vmem>> -> memref<24x1024xf32, #tpu.memory_space<vmem>>
      %dma_start3A_92 = arith.constant 0 : i32
      %dma_start3A_93 = tpu.memref_slice %arg2[%add3A_15, %dma_start3A_92] : memref<4096x1024xf32, #tpu.memory_space<hbm>> -> memref<24x1024xf32, #tpu.memory_space<hbm>>
      tpu.enqueue_dma source(%dma_start3A_93 : memref<24x1024xf32, #tpu.memory_space<hbm>>) target(%dma_start3A_91 : memref<24x1024xf32, #tpu.memory_space<vmem>>) target_semaphore(%arg11 : memref<!tpu.dma_semaphore, #tpu.memory_space<semaphore_mem>>)
      %dma_wait3A_94 = arith.constant 0 : i32
      %dma_wait3A_95 = arith.constant 0 : i32
      %dma_wait3A_96 = tpu.memref_slice %arg5[%dma_wait3A_94, %dma_wait3A_95] : memref<32x1024xf32, #tpu.memory_space<vmem>> -> memref<32x1024xf32, #tpu.memory_space<vmem>>
      %dma_wait3A_97 = arith.constant 0 : i32
      %dma_wait3A_98 = tpu.memref_slice %arg2[%add3A_13, %dma_wait3A_97] : memref<4096x1024xf32, #tpu.memory_space<hbm>> -> memref<32x1024xf32, #tpu.memory_space<hbm>>
      %dma_wait3A_99 = arith.constant 0 : i32
      %dma_wait3A_100 = arith.constant 0 : i32
      %dma_wait3A_101 = tpu.memref_slice %arg5[%dma_wait3A_99, %dma_wait3A_100] : memref<32x1024xf32, #tpu.memory_space<vmem>> -> memref<32x1024xf32, #tpu.memory_space<vmem>>
      %dma_wait3A_102 = arith.constant 0 : i32
      %dma_wait3A_103 = tpu.memref_slice %arg2[%add3A_13, %dma_wait3A_102] : memref<4096x1024xf32, #tpu.memory_space<hbm>> -> memref<32x1024xf32, #tpu.memory_space<hbm>>
      tpu.wait_dma2 semaphore(%arg10 : memref<!tpu.dma_semaphore, #tpu.memory_space<semaphore_mem>>) src(%dma_wait3A_103 : memref<32x1024xf32, #tpu.memory_space<hbm>>) dst(%dma_wait3A_101 : memref<32x1024xf32, #tpu.memory_space<vmem>>)
      %dma_start3A_104 = arith.constant 0 : i32
      %dma_start3A_105 = arith.constant 0 : i32
      %dma_start3A_106 = tpu.memref_slice %arg5[%dma_start3A_104, %dma_start3A_105] : memref<32x1024xf32, #tpu.memory_space<vmem>> -> memref<32x1024xf32, #tpu.memory_space<vmem>>
      %dma_start3A_107 = arith.constant 0 : i32
      %dma_start3A_108 = tpu.memref_slice %arg3[%add3A_13, %dma_start3A_107] : memref<4096x4096xf32, #tpu.memory_space<hbm>> -> memref<32x1024xf32, #tpu.memory_space<hbm>>
      %dma_start3A_109 = arith.constant 0 : i32
      %dma_start3A_110 = tpu.memref_slice %arg3[%add3A_13, %dma_start3A_109] : memref<4096x4096xf32, #tpu.memory_space<hbm>> -> memref<32x1024xf32, #tpu.memory_space<hbm>>
      %dma_start3A_111 = arith.constant 0 : i32
      %dma_start3A_112 = arith.constant 0 : i32
      %dma_start3A_113 = tpu.memref_slice %arg5[%dma_start3A_111, %dma_start3A_112] : memref<32x1024xf32, #tpu.memory_space<vmem>> -> memref<32x1024xf32, #tpu.memory_space<vmem>>
      tpu.enqueue_dma source(%dma_start3A_113 : memref<32x1024xf32, #tpu.memory_space<vmem>>) target(%dma_start3A_110 : memref<32x1024xf32, #tpu.memory_space<hbm>>) target_semaphore(%arg13 : memref<!tpu.dma_semaphore, #tpu.memory_space<semaphore_mem>>)
      %dma_start3A_114 = arith.constant 0 : i32
      %dma_start3A_115 = arith.constant 0 : i32
      %dma_start3A_116 = tpu.memref_slice %arg5[%dma_start3A_114, %dma_start3A_115] : memref<32x1024xf32, #tpu.memory_space<vmem>> -> memref<32x1024xf32, #tpu.memory_space<vmem>>
      %dma_start3A_117 = arith.constant 1024 : i32
      %dma_start3A_118 = tpu.memref_slice %arg3[%add3A_13, %dma_start3A_117] : memref<4096x4096xf32, #tpu.memory_space<hbm>> -> memref<32x1024xf32, #tpu.memory_space<hbm>>
      %dma_start3A_119 = arith.constant 1024 : i32
      %dma_start3A_120 = tpu.memref_slice %arg3[%add3A_13, %dma_start3A_119] : memref<4096x4096xf32, #tpu.memory_space<hbm>> -> memref<32x1024xf32, #tpu.memory_space<hbm>>
      %dma_start3A_121 = arith.constant 0 : i32
      %dma_start3A_122 = arith.constant 0 : i32
      %dma_start3A_123 = tpu.memref_slice %arg5[%dma_start3A_121, %dma_start3A_122] : memref<32x1024xf32, #tpu.memory_space<vmem>> -> memref<32x1024xf32, #tpu.memory_space<vmem>>
      tpu.enqueue_dma source(%dma_start3A_123 : memref<32x1024xf32, #tpu.memory_space<vmem>>) target(%dma_start3A_120 : memref<32x1024xf32, #tpu.memory_space<hbm>>) target_semaphore(%arg13 : memref<!tpu.dma_semaphore, #tpu.memory_space<semaphore_mem>>)
      %dma_start3A_124 = arith.constant 0 : i32
      %dma_start3A_125 = arith.constant 0 : i32
      %dma_start3A_126 = tpu.memref_slice %arg5[%dma_start3A_124, %dma_start3A_125] : memref<32x1024xf32, #tpu.memory_space<vmem>> -> memref<32x1024xf32, #tpu.memory_space<vmem>>
      %dma_start3A_127 = arith.constant 2048 : i32
      %dma_start3A_128 = tpu.memref_slice %arg3[%add3A_13, %dma_start3A_127] : memref<4096x4096xf32, #tpu.memory_space<hbm>> -> memref<32x1024xf32, #tpu.memory_space<hbm>>
      %dma_start3A_129 = arith.constant 2048 : i32
      %dma_start3A_130 = tpu.memref_slice %arg3[%add3A_13, %dma_start3A_129] : memref<4096x4096xf32, #tpu.memory_space<hbm>> -> memref<32x1024xf32, #tpu.memory_space<hbm>>
      %dma_start3A_131 = arith.constant 0 : i32
      %dma_start3A_132 = arith.constant 0 : i32
      %dma_start3A_133 = tpu.memref_slice %arg5[%dma_start3A_131, %dma_start3A_132] : memref<32x1024xf32, #tpu.memory_space<vmem>> -> memref<32x1024xf32, #tpu.memory_space<vmem>>
      tpu.enqueue_dma source(%dma_start3A_133 : memref<32x1024xf32, #tpu.memory_space<vmem>>) target(%dma_start3A_130 : memref<32x1024xf32, #tpu.memory_space<hbm>>) target_semaphore(%arg13 : memref<!tpu.dma_semaphore, #tpu.memory_space<semaphore_mem>>)
      %dma_start3A_134 = arith.constant 0 : i32
      %dma_start3A_135 = arith.constant 0 : i32
      %dma_start3A_136 = tpu.memref_slice %arg5[%dma_start3A_134, %dma_start3A_135] : memref<32x1024xf32, #tpu.memory_space<vmem>> -> memref<32x1024xf32, #tpu.memory_space<vmem>>
      %dma_start3A_137 = arith.constant 3072 : i32
      %dma_start3A_138 = tpu.memref_slice %arg3[%add3A_13, %dma_start3A_137] : memref<4096x4096xf32, #tpu.memory_space<hbm>> -> memref<32x1024xf32, #tpu.memory_space<hbm>>
      %dma_start3A_139 = arith.constant 3072 : i32
      %dma_start3A_140 = tpu.memref_slice %arg3[%add3A_13, %dma_start3A_139] : memref<4096x4096xf32, #tpu.memory_space<hbm>> -> memref<32x1024xf32, #tpu.memory_space<hbm>>
      %dma_start3A_141 = arith.constant 0 : i32
      %dma_start3A_142 = arith.constant 0 : i32
      %dma_start3A_143 = tpu.memref_slice %arg5[%dma_start3A_141, %dma_start3A_142] : memref<32x1024xf32, #tpu.memory_space<vmem>> -> memref<32x1024xf32, #tpu.memory_space<vmem>>
      tpu.enqueue_dma source(%dma_start3A_143 : memref<32x1024xf32, #tpu.memory_space<vmem>>) target(%dma_start3A_140 : memref<32x1024xf32, #tpu.memory_space<hbm>>) target_semaphore(%arg13 : memref<!tpu.dma_semaphore, #tpu.memory_space<semaphore_mem>>)
      %dma_wait3A_144 = arith.constant 0 : i32
      %dma_wait3A_145 = arith.constant 0 : i32
      %dma_wait3A_146 = tpu.memref_slice %arg6[%dma_wait3A_144, %dma_wait3A_145] : memref<32x1024xf32, #tpu.memory_space<vmem>> -> memref<24x1024xf32, #tpu.memory_space<vmem>>
      %dma_wait3A_147 = arith.constant 0 : i32
      %dma_wait3A_148 = tpu.memref_slice %arg2[%add3A_15, %dma_wait3A_147] : memref<4096x1024xf32, #tpu.memory_space<hbm>> -> memref<24x1024xf32, #tpu.memory_space<hbm>>
      %dma_wait3A_149 = arith.constant 0 : i32
      %dma_wait3A_150 = arith.constant 0 : i32
      %dma_wait3A_151 = tpu.memref_slice %arg6[%dma_wait3A_149, %dma_wait3A_150] : memref<32x1024xf32, #tpu.memory_space<vmem>> -> memref<24x1024xf32, #tpu.memory_space<vmem>>
      %dma_wait3A_152 = arith.constant 0 : i32
      %dma_wait3A_153 = tpu.memref_slice %arg2[%add3A_15, %dma_wait3A_152] : memref<4096x1024xf32, #tpu.memory_space<hbm>> -> memref<24x1024xf32, #tpu.memory_space<hbm>>
      tpu.wait_dma2 semaphore(%arg11 : memref<!tpu.dma_semaphore, #tpu.memory_space<semaphore_mem>>) src(%dma_wait3A_153 : memref<24x1024xf32, #tpu.memory_space<hbm>>) dst(%dma_wait3A_151 : memref<24x1024xf32, #tpu.memory_space<vmem>>)
      %dma_start3A_154 = arith.constant 0 : i32
      %dma_start3A_155 = arith.constant 0 : i32
      %dma_start3A_156 = tpu.memref_slice %arg6[%dma_start3A_154, %dma_start3A_155] : memref<32x1024xf32, #tpu.memory_space<vmem>> -> memref<24x1024xf32, #tpu.memory_space<vmem>>
      %dma_start3A_157 = arith.constant 0 : i32
      %dma_start3A_158 = tpu.memref_slice %arg3[%add3A_15, %dma_start3A_157] : memref<4096x4096xf32, #tpu.memory_space<hbm>> -> memref<24x1024xf32, #tpu.memory_space<hbm>>
      %dma_start3A_159 = arith.constant 0 : i32
      %dma_start3A_160 = tpu.memref_slice %arg3[%add3A_15, %dma_start3A_159] : memref<4096x4096xf32, #tpu.memory_space<hbm>> -> memref<24x1024xf32, #tpu.memory_space<hbm>>
      %dma_start3A_161 = arith.constant 0 : i32
      %dma_start3A_162 = arith.constant 0 : i32
      %dma_start3A_163 = tpu.memref_slice %arg6[%dma_start3A_161, %dma_start3A_162] : memref<32x1024xf32, #tpu.memory_space<vmem>> -> memref<24x1024xf32, #tpu.memory_space<vmem>>
      tpu.enqueue_dma source(%dma_start3A_163 : memref<24x1024xf32, #tpu.memory_space<vmem>>) target(%dma_start3A_160 : memref<24x1024xf32, #tpu.memory_space<hbm>>) target_semaphore(%arg14 : memref<!tpu.dma_semaphore, #tpu.memory_space<semaphore_mem>>)
      %dma_start3A_164 = arith.constant 0 : i32
      %dma_start3A_165 = arith.constant 0 : i32
      %dma_start3A_166 = tpu.memref_slice %arg6[%dma_start3A_164, %dma_start3A_165] : memref<32x1024xf32, #tpu.memory_space<vmem>> -> memref<24x1024xf32, #tpu.memory_space<vmem>>
      %dma_start3A_167 = arith.constant 1024 : i32
      %dma_start3A_168 = tpu.memref_slice %arg3[%add3A_15, %dma_start3A_167] : memref<4096x4096xf32, #tpu.memory_space<hbm>> -> memref<24x1024xf32, #tpu.memory_space<hbm>>
      %dma_start3A_169 = arith.constant 1024 : i32
      %dma_start3A_170 = tpu.memref_slice %arg3[%add3A_15, %dma_start3A_169] : memref<4096x4096xf32, #tpu.memory_space<hbm>> -> memref<24x1024xf32, #tpu.memory_space<hbm>>
      %dma_start3A_171 = arith.constant 0 : i32
      %dma_start3A_172 = arith.constant 0 : i32
      %dma_start3A_173 = tpu.memref_slice %arg6[%dma_start3A_171, %dma_start3A_172] : memref<32x1024xf32, #tpu.memory_space<vmem>> -> memref<24x1024xf32, #tpu.memory_space<vmem>>
      tpu.enqueue_dma source(%dma_start3A_173 : memref<24x1024xf32, #tpu.memory_space<vmem>>) target(%dma_start3A_170 : memref<24x1024xf32, #tpu.memory_space<hbm>>) target_semaphore(%arg14 : memref<!tpu.dma_semaphore, #tpu.memory_space<semaphore_mem>>)
      %dma_start3A_174 = arith.constant 0 : i32
      %dma_start3A_175 = arith.constant 0 : i32
      %dma_start3A_176 = tpu.memref_slice %arg6[%dma_start3A_174, %dma_start3A_175] : memref<32x1024xf32, #tpu.memory_space<vmem>> -> memref<24x1024xf32, #tpu.memory_space<vmem>>
      %dma_start3A_177 = arith.constant 2048 : i32
      %dma_start3A_178 = tpu.memref_slice %arg3[%add3A_15, %dma_start3A_177] : memref<4096x4096xf32, #tpu.memory_space<hbm>> -> memref<24x1024xf32, #tpu.memory_space<hbm>>
      %dma_start3A_179 = arith.constant 2048 : i32
      %dma_start3A_180 = tpu.memref_slice %arg3[%add3A_15, %dma_start3A_179] : memref<4096x4096xf32, #tpu.memory_space<hbm>> -> memref<24x1024xf32, #tpu.memory_space<hbm>>
      %dma_start3A_181 = arith.constant 0 : i32
      %dma_start3A_182 = arith.constant 0 : i32
      %dma_start3A_183 = tpu.memref_slice %arg6[%dma_start3A_181, %dma_start3A_182] : memref<32x1024xf32, #tpu.memory_space<vmem>> -> memref<24x1024xf32, #tpu.memory_space<vmem>>
      tpu.enqueue_dma source(%dma_start3A_183 : memref<24x1024xf32, #tpu.memory_space<vmem>>) target(%dma_start3A_180 : memref<24x1024xf32, #tpu.memory_space<hbm>>) target_semaphore(%arg14 : memref<!tpu.dma_semaphore, #tpu.memory_space<semaphore_mem>>)
      %dma_start3A_184 = arith.constant 0 : i32
      %dma_start3A_185 = arith.constant 0 : i32
      %dma_start3A_186 = tpu.memref_slice %arg6[%dma_start3A_184, %dma_start3A_185] : memref<32x1024xf32, #tpu.memory_space<vmem>> -> memref<24x1024xf32, #tpu.memory_space<vmem>>
      %dma_start3A_187 = arith.constant 3072 : i32
      %dma_start3A_188 = tpu.memref_slice %arg3[%add3A_15, %dma_start3A_187] : memref<4096x4096xf32, #tpu.memory_space<hbm>> -> memref<24x1024xf32, #tpu.memory_space<hbm>>
      %dma_start3A_189 = arith.constant 3072 : i32
      %dma_start3A_190 = tpu.memref_slice %arg3[%add3A_15, %dma_start3A_189] : memref<4096x4096xf32, #tpu.memory_space<hbm>> -> memref<24x1024xf32, #tpu.memory_space<hbm>>
      %dma_start3A_191 = arith.constant 0 : i32
      %dma_start3A_192 = arith.constant 0 : i32
      %dma_start3A_193 = tpu.memref_slice %arg6[%dma_start3A_191, %dma_start3A_192] : memref<32x1024xf32, #tpu.memory_space<vmem>> -> memref<24x1024xf32, #tpu.memory_space<vmem>>
      tpu.enqueue_dma source(%dma_start3A_193 : memref<24x1024xf32, #tpu.memory_space<vmem>>) target(%dma_start3A_190 : memref<24x1024xf32, #tpu.memory_space<hbm>>) target_semaphore(%arg14 : memref<!tpu.dma_semaphore, #tpu.memory_space<semaphore_mem>>)
      %dma_wait3A_194 = arith.constant 0 : i32
      %dma_wait3A_195 = arith.constant 0 : i32
      %dma_wait3A_196 = tpu.memref_slice %arg4[%dma_wait3A_194, %dma_wait3A_195] : memref<32x1024xf32, #tpu.memory_space<vmem>> -> memref<32x1024xf32, #tpu.memory_space<vmem>>
      %dma_wait3A_197 = arith.constant 0 : i32
      %dma_wait3A_198 = tpu.memref_slice %arg3[%add3A_11, %dma_wait3A_197] : memref<4096x4096xf32, #tpu.memory_space<hbm>> -> memref<32x1024xf32, #tpu.memory_space<hbm>>
      %dma_wait3A_199 = arith.constant 0 : i32
      %dma_wait3A_200 = tpu.memref_slice %arg3[%add3A_11, %dma_wait3A_199] : memref<4096x4096xf32, #tpu.memory_space<hbm>> -> memref<32x1024xf32, #tpu.memory_space<hbm>>
      %dma_wait3A_201 = arith.constant 0 : i32
      %dma_wait3A_202 = arith.constant 0 : i32
      %dma_wait3A_203 = tpu.memref_slice %arg4[%dma_wait3A_201, %dma_wait3A_202] : memref<32x1024xf32, #tpu.memory_space<vmem>> -> memref<32x1024xf32, #tpu.memory_space<vmem>>
      tpu.wait_dma2 semaphore(%arg12 : memref<!tpu.dma_semaphore, #tpu.memory_space<semaphore_mem>>) src(%dma_wait3A_203 : memref<32x1024xf32, #tpu.memory_space<vmem>>) dst(%dma_wait3A_200 : memref<32x1024xf32, #tpu.memory_space<hbm>>)
      %dma_wait3A_204 = arith.constant 0 : i32
      %dma_wait3A_205 = arith.constant 0 : i32
      %dma_wait3A_206 = tpu.memref_slice %arg4[%dma_wait3A_204, %dma_wait3A_205] : memref<32x1024xf32, #tpu.memory_space<vmem>> -> memref<32x1024xf32, #tpu.memory_space<vmem>>
      %dma_wait3A_207 = arith.constant 1024 : i32
      %dma_wait3A_208 = tpu.memref_slice %arg3[%add3A_11, %dma_wait3A_207] : memref<4096x4096xf32, #tpu.memory_space<hbm>> -> memref<32x1024xf32, #tpu.memory_space<hbm>>
      %dma_wait3A_209 = arith.constant 1024 : i32
      %dma_wait3A_210 = tpu.memref_slice %arg3[%add3A_11, %dma_wait3A_209] : memref<4096x4096xf32, #tpu.memory_space<hbm>> -> memref<32x1024xf32, #tpu.memory_space<hbm>>
      %dma_wait3A_211 = arith.constant 0 : i32
      %dma_wait3A_212 = arith.constant 0 : i32
      %dma_wait3A_213 = tpu.memref_slice %arg4[%dma_wait3A_211, %dma_wait3A_212] : memref<32x1024xf32, #tpu.memory_space<vmem>> -> memref<32x1024xf32, #tpu.memory_space<vmem>>
      tpu.wait_dma2 semaphore(%arg12 : memref<!tpu.dma_semaphore, #tpu.memory_space<semaphore_mem>>) src(%dma_wait3A_213 : memref<32x1024xf32, #tpu.memory_space<vmem>>) dst(%dma_wait3A_210 : memref<32x1024xf32, #tpu.memory_space<hbm>>)
      %dma_wait3A_214 = arith.constant 0 : i32
      %dma_wait3A_215 = arith.constant 0 : i32
      %dma_wait3A_216 = tpu.memref_slice %arg4[%dma_wait3A_214, %dma_wait3A_215] : memref<32x1024xf32, #tpu.memory_space<vmem>> -> memref<32x1024xf32, #tpu.memory_space<vmem>>
      %dma_wait3A_217 = arith.constant 2048 : i32
      %dma_wait3A_218 = tpu.memref_slice %arg3[%add3A_11, %dma_wait3A_217] : memref<4096x4096xf32, #tpu.memory_space<hbm>> -> memref<32x1024xf32, #tpu.memory_space<hbm>>
      %dma_wait3A_219 = arith.constant 2048 : i32
      %dma_wait3A_220 = tpu.memref_slice %arg3[%add3A_11, %dma_wait3A_219] : memref<4096x4096xf32, #tpu.memory_space<hbm>> -> memref<32x1024xf32, #tpu.memory_space<hbm>>
      %dma_wait3A_221 = arith.constant 0 : i32
      %dma_wait3A_222 = arith.constant 0 : i32
      %dma_wait3A_223 = tpu.memref_slice %arg4[%dma_wait3A_221, %dma_wait3A_222] : memref<32x1024xf32, #tpu.memory_space<vmem>> -> memref<32x1024xf32, #tpu.memory_space<vmem>>
      tpu.wait_dma2 semaphore(%arg12 : memref<!tpu.dma_semaphore, #tpu.memory_space<semaphore_mem>>) src(%dma_wait3A_223 : memref<32x1024xf32, #tpu.memory_space<vmem>>) dst(%dma_wait3A_220 : memref<32x1024xf32, #tpu.memory_space<hbm>>)
      %dma_wait3A_224 = arith.constant 0 : i32
      %dma_wait3A_225 = arith.constant 0 : i32
      %dma_wait3A_226 = tpu.memref_slice %arg4[%dma_wait3A_224, %dma_wait3A_225] : memref<32x1024xf32, #tpu.memory_space<vmem>> -> memref<32x1024xf32, #tpu.memory_space<vmem>>
      %dma_wait3A_227 = arith.constant 3072 : i32
      %dma_wait3A_228 = tpu.memref_slice %arg3[%add3A_11, %dma_wait3A_227] : memref<4096x4096xf32, #tpu.memory_space<hbm>> -> memref<32x1024xf32, #tpu.memory_space<hbm>>
      %dma_wait3A_229 = arith.constant 3072 : i32
      %dma_wait3A_230 = tpu.memref_slice %arg3[%add3A_11, %dma_wait3A_229] : memref<4096x4096xf32, #tpu.memory_space<hbm>> -> memref<32x1024xf32, #tpu.memory_space<hbm>>
      %dma_wait3A_231 = arith.constant 0 : i32
      %dma_wait3A_232 = arith.constant 0 : i32
      %dma_wait3A_233 = tpu.memref_slice %arg4[%dma_wait3A_231, %dma_wait3A_232] : memref<32x1024xf32, #tpu.memory_space<vmem>> -> memref<32x1024xf32, #tpu.memory_space<vmem>>
      tpu.wait_dma2 semaphore(%arg12 : memref<!tpu.dma_semaphore, #tpu.memory_space<semaphore_mem>>) src(%dma_wait3A_233 : memref<32x1024xf32, #tpu.memory_space<vmem>>) dst(%dma_wait3A_230 : memref<32x1024xf32, #tpu.memory_space<hbm>>)
      %dma_wait3A_234 = arith.constant 0 : i32
      %dma_wait3A_235 = arith.constant 0 : i32
      %dma_wait3A_236 = tpu.memref_slice %arg5[%dma_wait3A_234, %dma_wait3A_235] : memref<32x1024xf32, #tpu.memory_space<vmem>> -> memref<32x1024xf32, #tpu.memory_space<vmem>>
      %dma_wait3A_237 = arith.constant 0 : i32
      %dma_wait3A_238 = tpu.memref_slice %arg3[%add3A_13, %dma_wait3A_237] : memref<4096x4096xf32, #tpu.memory_space<hbm>> -> memref<32x1024xf32, #tpu.memory_space<hbm>>
      %dma_wait3A_239 = arith.constant 0 : i32
      %dma_wait3A_240 = tpu.memref_slice %arg3[%add3A_13, %dma_wait3A_239] : memref<4096x4096xf32, #tpu.memory_space<hbm>> -> memref<32x1024xf32, #tpu.memory_space<hbm>>
      %dma_wait3A_241 = arith.constant 0 : i32
      %dma_wait3A_242 = arith.constant 0 : i32
      %dma_wait3A_243 = tpu.memref_slice %arg5[%dma_wait3A_241, %dma_wait3A_242] : memref<32x1024xf32, #tpu.memory_space<vmem>> -> memref<32x1024xf32, #tpu.memory_space<vmem>>
      tpu.wait_dma2 semaphore(%arg13 : memref<!tpu.dma_semaphore, #tpu.memory_space<semaphore_mem>>) src(%dma_wait3A_243 : memref<32x1024xf32, #tpu.memory_space<vmem>>) dst(%dma_wait3A_240 : memref<32x1024xf32, #tpu.memory_space<hbm>>)
      %dma_wait3A_244 = arith.constant 0 : i32
      %dma_wait3A_245 = arith.constant 0 : i32
      %dma_wait3A_246 = tpu.memref_slice %arg5[%dma_wait3A_244, %dma_wait3A_245] : memref<32x1024xf32, #tpu.memory_space<vmem>> -> memref<32x1024xf32, #tpu.memory_space<vmem>>
      %dma_wait3A_247 = arith.constant 1024 : i32
      %dma_wait3A_248 = tpu.memref_slice %arg3[%add3A_13, %dma_wait3A_247] : memref<4096x4096xf32, #tpu.memory_space<hbm>> -> memref<32x1024xf32, #tpu.memory_space<hbm>>
      %dma_wait3A_249 = arith.constant 1024 : i32
      %dma_wait3A_250 = tpu.memref_slice %arg3[%add3A_13, %dma_wait3A_249] : memref<4096x4096xf32, #tpu.memory_space<hbm>> -> memref<32x1024xf32, #tpu.memory_space<hbm>>
      %dma_wait3A_251 = arith.constant 0 : i32
      %dma_wait3A_252 = arith.constant 0 : i32
      %dma_wait3A_253 = tpu.memref_slice %arg5[%dma_wait3A_251, %dma_wait3A_252] : memref<32x1024xf32, #tpu.memory_space<vmem>> -> memref<32x1024xf32, #tpu.memory_space<vmem>>
      tpu.wait_dma2 semaphore(%arg13 : memref<!tpu.dma_semaphore, #tpu.memory_space<semaphore_mem>>) src(%dma_wait3A_253 : memref<32x1024xf32, #tpu.memory_space<vmem>>) dst(%dma_wait3A_250 : memref<32x1024xf32, #tpu.memory_space<hbm>>)
      %dma_wait3A_254 = arith.constant 0 : i32
      %dma_wait3A_255 = arith.constant 0 : i32
      %dma_wait3A_256 = tpu.memref_slice %arg5[%dma_wait3A_254, %dma_wait3A_255] : memref<32x1024xf32, #tpu.memory_space<vmem>> -> memref<32x1024xf32, #tpu.memory_space<vmem>>
      %dma_wait3A_257 = arith.constant 2048 : i32
      %dma_wait3A_258 = tpu.memref_slice %arg3[%add3A_13, %dma_wait3A_257] : memref<4096x4096xf32, #tpu.memory_space<hbm>> -> memref<32x1024xf32, #tpu.memory_space<hbm>>
      %dma_wait3A_259 = arith.constant 2048 : i32
      %dma_wait3A_260 = tpu.memref_slice %arg3[%add3A_13, %dma_wait3A_259] : memref<4096x4096xf32, #tpu.memory_space<hbm>> -> memref<32x1024xf32, #tpu.memory_space<hbm>>
      %dma_wait3A_261 = arith.constant 0 : i32
      %dma_wait3A_262 = arith.constant 0 : i32
      %dma_wait3A_263 = tpu.memref_slice %arg5[%dma_wait3A_261, %dma_wait3A_262] : memref<32x1024xf32, #tpu.memory_space<vmem>> -> memref<32x1024xf32, #tpu.memory_space<vmem>>
      tpu.wait_dma2 semaphore(%arg13 : memref<!tpu.dma_semaphore, #tpu.memory_space<semaphore_mem>>) src(%dma_wait3A_263 : memref<32x1024xf32, #tpu.memory_space<vmem>>) dst(%dma_wait3A_260 : memref<32x1024xf32, #tpu.memory_space<hbm>>)
      %dma_wait3A_264 = arith.constant 0 : i32
      %dma_wait3A_265 = arith.constant 0 : i32
      %dma_wait3A_266 = tpu.memref_slice %arg5[%dma_wait3A_264, %dma_wait3A_265] : memref<32x1024xf32, #tpu.memory_space<vmem>> -> memref<32x1024xf32, #tpu.memory_space<vmem>>
      %dma_wait3A_267 = arith.constant 3072 : i32
      %dma_wait3A_268 = tpu.memref_slice %arg3[%add3A_13, %dma_wait3A_267] : memref<4096x4096xf32, #tpu.memory_space<hbm>> -> memref<32x1024xf32, #tpu.memory_space<hbm>>
      %dma_wait3A_269 = arith.constant 3072 : i32
      %dma_wait3A_270 = tpu.memref_slice %arg3[%add3A_13, %dma_wait3A_269] : memref<4096x4096xf32, #tpu.memory_space<hbm>> -> memref<32x1024xf32, #tpu.memory_space<hbm>>
      %dma_wait3A_271 = arith.constant 0 : i32
      %dma_wait3A_272 = arith.constant 0 : i32
      %dma_wait3A_273 = tpu.memref_slice %arg5[%dma_wait3A_271, %dma_wait3A_272] : memref<32x1024xf32, #tpu.memory_space<vmem>> -> memref<32x1024xf32, #tpu.memory_space<vmem>>
      tpu.wait_dma2 semaphore(%arg13 : memref<!tpu.dma_semaphore, #tpu.memory_space<semaphore_mem>>) src(%dma_wait3A_273 : memref<32x1024xf32, #tpu.memory_space<vmem>>) dst(%dma_wait3A_270 : memref<32x1024xf32, #tpu.memory_space<hbm>>)
      %dma_wait3A_274 = arith.constant 0 : i32
      %dma_wait3A_275 = arith.constant 0 : i32
      %dma_wait3A_276 = tpu.memref_slice %arg6[%dma_wait3A_274, %dma_wait3A_275] : memref<32x1024xf32, #tpu.memory_space<vmem>> -> memref<24x1024xf32, #tpu.memory_space<vmem>>
      %dma_wait3A_277 = arith.constant 0 : i32
      %dma_wait3A_278 = tpu.memref_slice %arg3[%add3A_15, %dma_wait3A_277] : memref<4096x4096xf32, #tpu.memory_space<hbm>> -> memref<24x1024xf32, #tpu.memory_space<hbm>>
      %dma_wait3A_279 = arith.constant 0 : i32
      %dma_wait3A_280 = tpu.memref_slice %arg3[%add3A_15, %dma_wait3A_279] : memref<4096x4096xf32, #tpu.memory_space<hbm>> -> memref<24x1024xf32, #tpu.memory_space<hbm>>
      %dma_wait3A_281 = arith.constant 0 : i32
      %dma_wait3A_282 = arith.constant 0 : i32
      %dma_wait3A_283 = tpu.memref_slice %arg6[%dma_wait3A_281, %dma_wait3A_282] : memref<32x1024xf32, #tpu.memory_space<vmem>> -> memref<24x1024xf32, #tpu.memory_space<vmem>>
      tpu.wait_dma2 semaphore(%arg14 : memref<!tpu.dma_semaphore, #tpu.memory_space<semaphore_mem>>) src(%dma_wait3A_283 : memref<24x1024xf32, #tpu.memory_space<vmem>>) dst(%dma_wait3A_280 : memref<24x1024xf32, #tpu.memory_space<hbm>>)
      %dma_wait3A_284 = arith.constant 0 : i32
      %dma_wait3A_285 = arith.constant 0 : i32
      %dma_wait3A_286 = tpu.memref_slice %arg6[%dma_wait3A_284, %dma_wait3A_285] : memref<32x1024xf32, #tpu.memory_space<vmem>> -> memref<24x1024xf32, #tpu.memory_space<vmem>>
      %dma_wait3A_287 = arith.constant 1024 : i32
      %dma_wait3A_288 = tpu.memref_slice %arg3[%add3A_15, %dma_wait3A_287] : memref<4096x4096xf32, #tpu.memory_space<hbm>> -> memref<24x1024xf32, #tpu.memory_space<hbm>>
      %dma_wait3A_289 = arith.constant 1024 : i32
      %dma_wait3A_290 = tpu.memref_slice %arg3[%add3A_15, %dma_wait3A_289] : memref<4096x4096xf32, #tpu.memory_space<hbm>> -> memref<24x1024xf32, #tpu.memory_space<hbm>>
      %dma_wait3A_291 = arith.constant 0 : i32
      %dma_wait3A_292 = arith.constant 0 : i32
      %dma_wait3A_293 = tpu.memref_slice %arg6[%dma_wait3A_291, %dma_wait3A_292] : memref<32x1024xf32, #tpu.memory_space<vmem>> -> memref<24x1024xf32, #tpu.memory_space<vmem>>
      tpu.wait_dma2 semaphore(%arg14 : memref<!tpu.dma_semaphore, #tpu.memory_space<semaphore_mem>>) src(%dma_wait3A_293 : memref<24x1024xf32, #tpu.memory_space<vmem>>) dst(%dma_wait3A_290 : memref<24x1024xf32, #tpu.memory_space<hbm>>)
      %dma_wait3A_294 = arith.constant 0 : i32
      %dma_wait3A_295 = arith.constant 0 : i32
      %dma_wait3A_296 = tpu.memref_slice %arg6[%dma_wait3A_294, %dma_wait3A_295] : memref<32x1024xf32, #tpu.memory_space<vmem>> -> memref<24x1024xf32, #tpu.memory_space<vmem>>
      %dma_wait3A_297 = arith.constant 2048 : i32
      %dma_wait3A_298 = tpu.memref_slice %arg3[%add3A_15, %dma_wait3A_297] : memref<4096x4096xf32, #tpu.memory_space<hbm>> -> memref<24x1024xf32, #tpu.memory_space<hbm>>
      %dma_wait3A_299 = arith.constant 2048 : i32
      %dma_wait3A_300 = tpu.memref_slice %arg3[%add3A_15, %dma_wait3A_299] : memref<4096x4096xf32, #tpu.memory_space<hbm>> -> memref<24x1024xf32, #tpu.memory_space<hbm>>
      %dma_wait3A_301 = arith.constant 0 : i32
      %dma_wait3A_302 = arith.constant 0 : i32
      %dma_wait3A_303 = tpu.memref_slice %arg6[%dma_wait3A_301, %dma_wait3A_302] : memref<32x1024xf32, #tpu.memory_space<vmem>> -> memref<24x1024xf32, #tpu.memory_space<vmem>>
      tpu.wait_dma2 semaphore(%arg14 : memref<!tpu.dma_semaphore, #tpu.memory_space<semaphore_mem>>) src(%dma_wait3A_303 : memref<24x1024xf32, #tpu.memory_space<vmem>>) dst(%dma_wait3A_300 : memref<24x1024xf32, #tpu.memory_space<hbm>>)
      %dma_wait3A_304 = arith.constant 0 : i32
      %dma_wait3A_305 = arith.constant 0 : i32
      %dma_wait3A_306 = tpu.memref_slice %arg6[%dma_wait3A_304, %dma_wait3A_305] : memref<32x1024xf32, #tpu.memory_space<vmem>> -> memref<24x1024xf32, #tpu.memory_space<vmem>>
      %dma_wait3A_307 = arith.constant 3072 : i32
      %dma_wait3A_308 = tpu.memref_slice %arg3[%add3A_15, %dma_wait3A_307] : memref<4096x4096xf32, #tpu.memory_space<hbm>> -> memref<24x1024xf32, #tpu.memory_space<hbm>>
      %dma_wait3A_309 = arith.constant 3072 : i32
      %dma_wait3A_310 = tpu.memref_slice %arg3[%add3A_15, %dma_wait3A_309] : memref<4096x4096xf32, #tpu.memory_space<hbm>> -> memref<24x1024xf32, #tpu.memory_space<hbm>>
      %dma_wait3A_311 = arith.constant 0 : i32
      %dma_wait3A_312 = arith.constant 0 : i32
      %dma_wait3A_313 = tpu.memref_slice %arg6[%dma_wait3A_311, %dma_wait3A_312] : memref<32x1024xf32, #tpu.memory_space<vmem>> -> memref<24x1024xf32, #tpu.memory_space<vmem>>
      tpu.wait_dma2 semaphore(%arg14 : memref<!tpu.dma_semaphore, #tpu.memory_space<semaphore_mem>>) src(%dma_wait3A_313 : memref<24x1024xf32, #tpu.memory_space<vmem>>) dst(%dma_wait3A_310 : memref<24x1024xf32, #tpu.memory_space<hbm>>)
    } else {
    }
    return
  }
}

</mosaic_0001>

<sc_bundles>
// kernel: kernel.3.cloned.1.call-start
scs
__scs_entry_jumppad:
0x0: {  	(pc) =	sbr.rel $0x88, $3  }
0x1: {  	(tag) =	ssettag $0x0;
	lr =	simm.s32 $0x1  }
0x2: {  	[smem:$0x3FA0] =	sst lr;
	_ =	strace $0xD0000000  }
0x3: {  	_ = 	snop  }
0x4: {  	_ = 	snop  }
0x5: {  	_ = 	snop  }
0x6: {  	_ = 	snop  }
0x7: {  	_ = 	snop  }
__scs_overlays_trampoline_lowered:
0x8: {  	[smem:$0x3FAF] =	sst s0  }
0x9: {  	[smem:$0x3FB0] =	sst s1  }
0xa: {  	[smem:$0x3FB1] =	sst s2  }
0xb: {  	[smem:$0x3FB2] =	sst s3  }
0xc: {  	[smem:$0x3FB3] =	sst s4  }
0xd: {  	[smem:$0x3FB4] =	sst s5  }
0xe: {  	[smem:$0x3FB5] =	sst s6  }
0xf: {  	[smem:$0x3FB6] =	sst s7  }
0x10: {  	[smem:$0x3FB7] =	sst s8  }
0x11: {  	[smem:$0x3FB8] =	sst s9;
	s0 =	simm.s32 @!p0 $0x0  }
0x12: {  	s1 =	sld [smem:$0x3F9E];
	s0 =	simm.s32 @p0 $0x1  }
0x13: {  	[smem:$0x3FB9] =	sst s0;
	s0 =	simm.s32 @!p1 $0x0  }
0x14: {  	s2 =	sld [smem:$0x3F9D];
	s0 =	simm.s32 @p1 $0x1  }
0x15: {  	[smem:$0x3FBA] =	sst s0;
	s0 =	simm.s32 @!p2 $0x0  }
0x16: {  	s3 =	sld [smem:$0x3FDB];
	s0 =	simm.s32 @p2 $0x1  }
0x17: {  	s4 =	simm.s32 $0x1BF5;
	[smem:$0x3FBC] =	sst s0  }
0x18: {  	s0 =	sld [smem:$0x3F9F];
	_ =	swait.ge [sflag:s4], $0x0  }
0x19: {  	s7 =	sld [smem:$0x3FA0]  }
0x1a: {  	s8 =	sadd.s32 $0xFFFFE003, lr  }
0x1b: {  	s9 =	sadd.s32 $0xFFFFFEF7, lr;
	s5 =	simm.s32 $0xFFFFFFFF;
	p2 =	slt.u32 s8, $0xFFFFF086  }
0x1c: {  	p1 =	slt.u32 s9, $0xF7A;
	s5 =	simm.s32 @!p2 $0x0  }
0x1d: {  	s5 =	simm.s32 @p1 $0x1;
	p0 =	seq.s32 s7, s2  }
0x1e: {  	s7 =	smul.u32 @!p0 $0xF7A, s2;
	p2 =	seq.s32 @!p0 s5, $0x0  }
0x1f: {  	s9 =	smul.u32 $0xF7A, s1;
	s8 =	simm.s32 @!p0 $0x1BF5;
	p2 =	por !p2, p0  }
0x20: {  	[sflag:s8] =	ssyncset.s32 @!p0 $0xFFFFF086;
	s6 =	sadd.s32 @!p0 s3, s7;
	s7 =	simm.s32 @!p0 $0x108  }
0x21: {  	s3 =	sadd.s32 s3, s9;
	s6 =	sadd.s32 @!p0 $0x88, s6;
	s7 =	simm.s32 @p2 $0x1082  }
0x22: {  	[simem:s7], [sflag:s8] =	dma.local @!p0 [hbm:s6], $0xF7A  }
0x23: {  	s9 =	sor.u32 $0xD0000000, s2;
	s6 =	simm.s32 $0x108;
	_ =	swait.ge @!p0 [sflag:s8], $0x0  }
0x24: {  	s3 =	sadd.s32 $0x88, s3;
	s6 =	simm.s32 @!p1 $0x1082;
	[sflag:s4] =	ssyncset.s32 $0xFFFFF086  }
0x25: {  	[simem:s6], [sflag:s4] =	dma.local [hbm:s3], $0xF7A  }
0x26: {  	[smem:$0x3FA0] =	sst s1;
	(tag) =	ssettag s2;
	_ =	strace s9  }
0x27: {  	s1 =	sld [smem:$0x3FB0]  }
0x28: {  	s2 =	sld [smem:$0x3FB1]  }
0x29: {  	s4 =	sld [smem:$0x3FB3]  }
0x2a: {  	p0 =	seq.s32 s5, $0x0;
	s5 =	sld [smem:$0x3FB4]  }
0x2b: {  	s6 =	sld [smem:$0x3FB5]  }
0x2c: {  	s7 =	sld [smem:$0x3FB6]  }
0x2d: {  	s3 =	simm.s32 $0x108;
	s8 =	sld [smem:$0x3FB7]  }
0x2e: {  	s3 =	simm.s32 @!p0 $0x1082;
	s9 =	sld [smem:$0x3FB8]  }
0x2f: {  	lr =	sadd.s32 s0, s3;
	s0 =	sld [smem:$0x3FAF]  }
0x30: {  	s3 =	sld [smem:$0x3FB2]  }
0x31: {  	[smem:$0x3FBB] =	sst s10  }
0x32: {  	s10 =	sld [smem:$0x3FB9];
	_ =	sdelay $0x3  }
0x33: {  	p0 =	seq.s32 s10, $0x1;
	s10 =	sld [smem:$0x3FBB];
	_ =	sdelay $0x3  }
0x34: {  	[smem:$0x3FBB] =	sst s10  }
0x35: {  	s10 =	sld [smem:$0x3FBA];
	_ =	sdelay $0x3  }
0x36: {  	p1 =	seq.s32 s10, $0x1;
	s10 =	sld [smem:$0x3FBB];
	_ =	sdelay $0x3  }
0x37: {  	[smem:$0x3FBB] =	sst s10  }
0x38: {  	s10 =	sld [smem:$0x3FBC]  }
0x39: {  	_ = 	snop;
	(pc) =	sbr.ind lr, $3  }
0x3a: {  	_ = 	snop  }
0x3b: {  	_ = 	snop  }
0x3c: {  	p2 =	seq.s32 s10, $0x1;
	s10 =	sld [smem:$0x3FBB]  }
0x3d: {  	_ =	shalt  }
0x3e: {  	_ =	shalt  }
0x3f: {  	_ =	shalt  }
0x40: {  	_ =	shalt  }
0x41: {  	_ =	shalt  }
0x42: {  	_ =	shalt  }
0x43: {  	_ =	shalt  }
0x44: {  	_ =	shalt  }
0x45: {  	_ =	shalt  }
0x46: {  	_ =	shalt  }
0x47: {  	_ =	shalt  }
0x48: {  	_ =	shalt  }
0x49: {  	_ =	shalt  }
0x4a: {  	_ =	shalt  }
0x4b: {  	_ =	shalt  }
0x4c: {  	_ =	shalt  }
0x4d: {  	_ =	shalt  }
0x4e: {  	_ =	shalt  }
0x4f: {  	_ =	shalt  }
0x50: {  	_ =	shalt  }
0x51: {  	_ =	shalt  }
0x52: {  	_ =	shalt  }
0x53: {  	_ =	shalt  }
0x54: {  	_ =	shalt  }
0x55: {  	_ =	shalt  }
0x56: {  	_ =	shalt  }
0x57: {  	_ =	shalt  }
0x58: {  	_ =	shalt  }
0x59: {  	_ =	shalt  }
0x5a: {  	_ =	shalt  }
0x5b: {  	_ =	shalt  }
0x5c: {  	_ =	shalt  }
0x5d: {  	_ =	shalt  }
0x5e: {  	_ =	shalt  }
0x5f: {  	_ =	shalt  }
0x60: {  	_ =	shalt  }
0x61: {  	_ =	shalt  }
0x62: {  	_ =	shalt  }
0x63: {  	_ =	shalt  }
0x64: {  	_ =	shalt  }
0x65: {  	_ =	shalt  }
0x66: {  	_ =	shalt  }
0x67: {  	_ =	shalt  }
0x68: {  	_ =	shalt  }
0x69: {  	_ =	shalt  }
0x6a: {  	_ =	shalt  }
0x6b: {  	_ =	shalt  }
0x6c: {  	_ =	shalt  }
0x6d: {  	_ =	shalt  }
0x6e: {  	_ =	shalt  }
0x6f: {  	_ =	shalt  }
0x70: {  	_ =	shalt  }
0x71: {  	_ =	shalt  }
0x72: {  	_ =	shalt  }
0x73: {  	_ =	shalt  }
0x74: {  	_ =	shalt  }
0x75: {  	_ =	shalt  }
0x76: {  	_ =	shalt  }
0x77: {  	_ =	shalt  }
0x78: {  	_ =	shalt  }
0x79: {  	_ =	shalt  }
0x7a: {  	_ =	shalt  }
0x7b: {  	_ =	shalt  }
0x7c: {  	_ =	shalt  }
0x7d: {  	_ =	shalt  }
0x7e: {  	_ =	shalt  }
0x7f: {  	_ =	shalt  }
0x80: {  	_ =	shalt  }
0x81: {  	_ =	shalt  }
0x82: {  	_ =	shalt  }
0x83: {  	_ =	shalt  }
0x84: {  	_ =	shalt  }
0x85: {  	_ =	shalt  }
0x86: {  	_ =	shalt  }
0x87: {  	_ =	shalt  }
.Lfunc_end0:
.L_simem_size_0:
called_computation_lowered:
.L_overlay_start_0:
0x88: {  	s2 =	sld [smem:$0x3FD9]  }
0x89: {  	s3 =	sld [smem:$0x3FFE];
	_ =	sdelay $0x1  }
0x8a: {  	s1 =	srdreg.scid  }
0x8b: {  	s0 =	sand.u32 $0x1, s1  }
0x8c: {  	s17 =	sshll.u32 s0, $0xA;
	s2 =	sadd.s32 s3, s2  }
0x8d: {  	s2 =	sadd.s32 s2, s17  }
0x8e: {  	[smem:$0x3FC7] =	sst s2  }
0x8f: {  	_ = 	snop  }
0x90: {  	s2 =	sld [smem:$0x3FC9];
	(tm) =	ssettm $0x1  }
0x91: {  	s18 =	sld [smem:$0x3FFB];
	_ =	sdelay $0x3  }
0x92: {  	_ =	strace s18  }
0x93: {  	s3 =	sld [smem:$0x3FFC];
	_ =	sdelay $0x3  }
0x94: {  	_ =	strace s3  }
0x95: {  	s3 =	sld [smem:$0x3FFD];
	_ =	sdelay $0x3  }
0x96: {  	_ =	strace s3  }
0x97: {  	_ =	strace $0x8FFFFFFF  }
0x98: {  	s19 =	sld [smem:$0x3FDB];
	_ =	sdelay $0x1  }
0x99: {  	s4 =	simm.s32 $_scs_section_size  }
0x9a: {  	s5 =	simm.s32 $_size__tile_overlayer_lowered;
	s6 =	simm.s32 $_tile_overlayer_lowered  }
0x9b: {  	s22 =	simm.s32 $0x1BFF;
	s21 =	sshll.u32 s6, $0x1;
	s3 =	sadd.s32 s4, s19  }
0x9c: {  	s7 =	simm.s32 $0x0;
	s20 =	sshll.u32 s5, $0x1;
	s5 =	sadd.s32 s21, s3  }
0x9d: {  	[timem:s7], [sflag:s22] =	dma.local [hbm:s5], s20  }
0x9e: {  	_ =	swait.ge [sflag:s22], s20  }
0x9f: {  	s4 =	ssub.s32 $0x0, s20;
	[sflag:s22] =	ssyncset.done $0x0  }
0xa0: {  	[sflag:s22] =	ssyncadd.s32 s4;
	_ =	sdelay $0x1  }
0xa1: {  	s23 =	simm.s32 $0x1B8B  }
0xa2: {  	_ =	swait.ge [sflag:s23], $0x1  }
0xa3: {  	[sflag:s23] =	ssyncset.done $0x0  }
0xa4: {  	s25 =	simm.s32 $0x1B8E;
	s24 =	sld [smem:$0x3FFE];
	[sflag:s23] =	ssyncadd.s32 $0xFFFFFFFF  }
0xa5: {  	s26 =	simm.s32 $execute0_lowered;
	[smem:$0x3FD2] =	sst s25  }
0xa6: {  	s5 =	sshll.u32 s26, $0x1;
	_ =	strace $0x80000046;
	[dreg:$0x1] =	wrdreg $0xFFFFFFFF  }
0xa7: {  	s28 =	simm.s32 $_size_execute0_lowered;
	s3 =	sadd.s32 s3, s5;
	[dreg:$0x0] =	wrdreg $0x0  }
0xa8: {  	s5 =	sshll.u32 s28, $0x1;
	[dreg:$0x2] =	wrdreg s3  }
0xa9: {  	[dreg:$0x3] =	wrdreg s5  }
0xaa: {  	[dreg:$0x4] =	wrdreg $0xC0  }
0xab: {  	_ =	task [dreg:s7], $0x5FFFF  }
0xac: {  	[dreg:$0x1] =	wrdreg $0xFFFFFFFF  }
0xad: {  	[dreg:$0x0] =	wrdreg $0x60  }
0xae: {  	[dreg:$0x2] =	wrdreg s2  }
0xaf: {  	[dreg:$0x3] =	wrdreg s24  }
0xb0: {  	[dreg:$0x4] =	wrdreg $0x180000  }
0xb1: {  	[dreg:$0x5] =	wrdreg $0x1C0000  }
0xb2: {  	[dreg:$0x6] =	wrdreg $0x9  }
0xb3: {  	_ =	task.clear_ibuf [dreg:s7], $0x7FFFF;
	_ =	strace $0x90000046  }
0xb4: {  	s29 =	simm.s32 $0x9;
	_ =	strace $0x80000048  }
0xb5: {  	_ =	swait.ge [sflag:s29], $0x1  }
0xb6: {  	[sflag:s29] =	ssyncadd.s32 $0xFFFFFFFF  }
0xb7: {  	_ =	strace $0x90000048  }
0xb8: {  	_ =	sfence  }
0xb9: {  	s30 =	sld [smem:$0x0];
	_ =	sdelay $0x2  }
0xba: {  	s31 =	sshll.u32 s1, $0xD;
	s1 =	sshrl.u32 s1, $0x2  }
0xbb: {  	s3 =	sand.u32 $0x4000, s31;
	s1 =	sadd.s32 s1, s30  }
0xbc: {  	s0 =	sor.u32 s3, s0;
	s1 =	sshll.u32 s1, $0x11  }
0xbd: {  	s0 =	sor.u32 s1, s0  }
0xbe: {  	s0 =	sadd.s32 $0x8F2B, s0  }
0xbf: {  	[sflag:s0] =	ssyncadd.remote.s32 $0x1  }
0xc0: {  	_ =	sfence.sel $0xFFFF  }
0xc1: {  	[dreg:$0x0] =	wrdreg $0xFFFFFFFF;
	(pc) =	sbr.abs _section_cstart, $3  }
0xc2: {  	[dreg:$0x1] =	wrdreg $0xFFFFFFFF  }
0xc3: {  	_ =	task.clear_ibuf [dreg:s7], $0x2FFFF;
	_ =	strace $0x9FFFFFFF  }
0xc4: {  	(tm) =	ssettm $0x7FFFFFFF  }
0xc5: {  	_ =	shalt  }
tec
execute0_lowered:
.L_overlay_start_1:
0x0: {  	(tag) =	ssettag $0x1  }
0x1: {  	s0 =	srdreg.scid;
	s2 =	rddreg [dreg:$0x0]  }
0x2: {  	s1 =	stileid.u32;
	s6 =	rddreg [dreg:$0x1]  }
0x3: {  	s29 =	simm.s32 $0x1C05;
	s30 =	simm.s32 $0x5;
	s31 =	simm.s32 $0x8000  }
0x4: {  	s28 =	simm.s32 $0x2000;
	s12 =	sand.u32 $0x1, s0;
	s3 =	smul.u32 $0x58, s1  }
0x5: {  	s0 =	simm.s32 $0x0;
	s13 =	sadd.s32 $0x400, s6;
	s19 =	sadd.s32 $0x800, s6  }
0x6: {  	s20 =	sadd.s32 $0xC00, s6;
	p0 =	sne.s32 s1, $0x0;
	s1 =	simm.s32 $0x3  }
0x7: {  	s4 =	sshll.u32 s12, $0xB;
	[smem:$0x7FF] =	sst s0;
	s5 =	ssub.s32 $0x2, s12  }
0x8: {  	s16 =	sshll.u32 s12, $0x12;
	s3 =	sor.u32 s4, s3;
	s21 =	sshrl.u32 s5, $0x1  }
0x9: {  	s16 =	sadd.s32 s2, s16;
	s7 =	sadd.s32 $0x280, s3;
	s14 =	ssub.s32 s5, s21  }
0xa: {  	s8 =	sadd.s32 $0x2A0, s3;
	s15 =	sadd.s32 $0x2C0, s3;
	s21 =	sadd.s32 $0x1000, s6  }
0xb: {  	s5 =	sshll.u32 s12, $0x8;
	[dreg:$0x8] =	wrdreg s16;
	s22 =	sshll.u32 s7, $0x7  }
0xc: {  	s24 =	sshll.u32 s8, $0x7;
	s7 =	sshll.u32 s7, $0x9;
	s9 =	sshll.u32 s15, $0x7  }
0xd: {  	s11 =	sshll.u32 s8, $0x9;
	s18 =	sshll.u32 s15, $0x9;
	s23 =	sadd.s32 s2, s22  }
0xe: {  	s3 =	sadd.s32 s2, s24;
	s25 =	sadd.s32 s13, s7;
	s26 =	sadd.s32 s7, s19  }
0xf: {  	s4 =	sadd.s32 s7, s20;
	s6 =	sadd.s32 s7, s21;
	[dreg:$0x5] =	wrdreg s23  }
0x10: {  	s7 =	sadd.s32 s2, s9;
	s8 =	sadd.s32 s13, s11;
	[dreg:$0x6] =	wrdreg s3  }
0x11: {  	s9 =	sadd.s32 s11, s19;
	s22 =	sor.u32 $0x20, s5;
	[dreg:$0x7] =	wrdreg s25  }
0x12: {  	s10 =	sadd.s32 s11, s20;
	[dreg:$0x17] =	wrdreg s26;
	s17 =	sshll.u32 s22, $0xA  }
0x13: {  	[dreg:$0x18] =	wrdreg s4;
	s26 =	sshll.u32 s12, $0x14;
	s25 =	sadd.s32 s2, s17  }
0x14: {  	s11 =	sadd.s32 s11, s21;
	s4 =	sadd.s32 s13, s26;
	[dreg:$0x9] =	wrdreg s25  }
0x15: {  	s23 =	sor.u32 $0x40, s5;
	s5 =	sadd.s32 s26, s19;
	[dreg:$0xb] =	wrdreg s4  }
0x16: {  	s15 =	sadd.s32 s13, s18;
	s12 =	sadd.s32 s26, s20;
	[dreg:$0xc] =	wrdreg s5  }
0x17: {  	s16 =	sadd.s32 s18, s19;
	s24 =	sshll.u32 s23, $0xA;
	[dreg:$0xd] =	wrdreg s12  }
0x18: {  	s22 =	sshll.u32 s22, $0xC;
	s2 =	sadd.s32 s2, s24;
	s5 =	rddreg [dreg:$0x2]  }
0x19: {  	s17 =	sadd.s32 s18, s20;
	s24 =	sadd.s32 s13, s22;
	[dreg:$0xa] =	wrdreg s2  }
0x1a: {  	s18 =	sadd.s32 s18, s21;
	s25 =	sadd.s32 s22, s19;
	[dreg:$0xf] =	wrdreg s24  }
0x1b: {  	s4 =	sshll.u32 s23, $0xC;
	s12 =	smax.u32 s14, $0x1;
	[dreg:$0x10] =	wrdreg s25  }
0x1c: {  	s2 =	sadd.s32 s26, s21;
	s26 =	sadd.s32 s22, s20;
	s25 =	rddreg [dreg:$0x3]  }
0x1d: {  	s23 =	sadd.s32 s13, s4;
	s24 =	sadd.s32 s4, s19;
	[dreg:$0xe] =	wrdreg s2  }
0x1e: {  	s13 =	sshrl.u32 s5, $0x3;
	s19 =	simm.s32 $0x10000;
	[dreg:$0x11] =	wrdreg s26  }
0x1f: {  	s5 =	simm.s32 $0x1C02;
	s2 =	sadd.s32 s22, s21;
	[dreg:$0x13] =	wrdreg s23  }
0x20: {  	[dreg:$0x14] =	wrdreg s24;
	s26 =	sadd.s32 s4, s20;
	s14 =	sshrl.u32 s25, $0x3  }
.Ltmp0:
0x21: {  	s20 =	simm.s32 $0x1;
	s22 =	simm.s32 $0x1000;
	(pc) =	sbr.rel .LBB2_1-.Ltmp0, $4  }
0x22: {  	s23 =	simm.s32 $0x400;
	s24 =	simm.s32 $0x1C04;
	[dreg:$0x12] =	wrdreg s2  }
0x23: {  	s25 =	simm.s32 $0x4;
	[dreg:$0x15] =	wrdreg s26;
	s2 =	sadd.s32 s4, s21  }
0x24: {  	s21 =	simm.s32 $0x40;
	s26 =	simm.s32 $0x2;
	[dreg:$0x16] =	wrdreg s2  }
0x25: {  	s4 =	simm.s32 $0x1C01;
	s2 =	simm.s32 $0x6;
	_ =	strace $0x80000047  }
.LBB2_3:
0x26: {  	s3 =	rddreg [dreg:$0x5]  }
0x27: {  	[tilespmem:s0], [sflag:$0x1] =	stream.linear.gather [hbm4b:s3+s0], $0x8000, $0x38;
	v63 =	vld [tilespmem:$0x0]  }
0x28: {  	s3 =	rddreg [dreg:$0x6]  }
0x29: {  	[tilespmem:s31], [sflag:$0x2] =	stream.linear.gather [hbm4b:s3+s0], $0x8000, $0x38;
	v63 =	vld [tilespmem:$0x0]  }
0x2a: {  	_ =	swait.ge [sflag:s20], $0x8000  }
0x2b: {  	[sflag:s20] =	ssyncset.done $0x0  }
0x2c: {  	s3 =	rddreg [dreg:$0x7];
	[sflag:s20] =	ssyncadd.s32 $0xFFFF8000  }
0x2d: {  	[hbm4b:s3+s28] =	stream.strided.scatter [tilespmem:s0], [sflag:$0x4], $0x8000, s31, s28, $0x38;
	v63 =	vld [tilespmem:$0x0]  }
0x2e: {  	s3 =	rddreg [dreg:$0x17]  }
0x2f: {  	[hbm4b:s3+s28] =	stream.strided.scatter [tilespmem:s0], [sflag:$0x4], $0x8000, s31, s28, $0x38;
	v63 =	vld [tilespmem:$0x0]  }
0x30: {  	s3 =	rddreg [dreg:$0x18]  }
0x31: {  	[hbm4b:s3+s28] =	stream.strided.scatter [tilespmem:s0], [sflag:$0x4], $0x8000, s31, s28, $0x38;
	v63 =	vld [tilespmem:$0x0]  }
0x32: {  	_ = 	snop  }
0x33: {  	[hbm4b:s6+s28] =	stream.strided.scatter [tilespmem:s0], [sflag:$0x4], $0x8000, s31, s28, $0x38;
	v63 =	vld [tilespmem:$0x0]  }
0x34: {  	_ = 	snop  }
0x35: {  	[tilespmem:s19], [sflag:$0x3] =	stream.linear.gather [hbm4b:s7+s0], $0x6000, $0x38;
	v63 =	vld [tilespmem:$0x0]  }
0x36: {  	_ =	swait.ge [sflag:s26], $0x8000  }
0x37: {  	[sflag:s26] =	ssyncset.done $0x0  }
0x38: {  	[sflag:s26] =	ssyncadd.s32 $0xFFFF8000  }
0x39: {  	[hbm4b:s8+s28] =	stream.strided.scatter [tilespmem:s31], [sflag:$0x5], $0x8000, s31, s28, $0x38;
	v63 =	vld [tilespmem:$0x0]  }
0x3a: {  	_ = 	snop  }
0x3b: {  	[hbm4b:s9+s28] =	stream.strided.scatter [tilespmem:s31], [sflag:$0x5], $0x8000, s31, s28, $0x38;
	v63 =	vld [tilespmem:$0x0]  }
0x3c: {  	_ = 	snop  }
0x3d: {  	[hbm4b:s10+s28] =	stream.strided.scatter [tilespmem:s31], [sflag:$0x5], $0x8000, s31, s28, $0x38;
	v63 =	vld [tilespmem:$0x0]  }
0x3e: {  	_ = 	snop  }
0x3f: {  	[hbm4b:s11+s28] =	stream.strided.scatter [tilespmem:s31], [sflag:$0x5], $0x8000, s31, s28, $0x38;
	v63 =	vld [tilespmem:$0x0]  }
0x40: {  	_ =	swait.ge [sflag:s1], $0x6000  }
0x41: {  	[sflag:s1] =	ssyncset.done $0x0  }
0x42: {  	[sflag:s1] =	ssyncadd.s32 $0xFFFFA000  }
0x43: {  	[hbm4b:s15+s28] =	stream.strided.scatter [tilespmem:s19], [sflag:$0x6], $0x6000, s31, s28, $0x38;
	v63 =	vld [tilespmem:$0x0]  }
0x44: {  	_ = 	snop  }
0x45: {  	[hbm4b:s16+s28] =	stream.strided.scatter [tilespmem:s19], [sflag:$0x6], $0x6000, s31, s28, $0x38;
	v63 =	vld [tilespmem:$0x0]  }
0x46: {  	_ = 	snop  }
0x47: {  	[hbm4b:s17+s28] =	stream.strided.scatter [tilespmem:s19], [sflag:$0x6], $0x6000, s31, s28, $0x38;
	v63 =	vld [tilespmem:$0x0]  }
0x48: {  	_ = 	snop  }
0x49: {  	[hbm4b:s18+s28] =	stream.strided.scatter [tilespmem:s19], [sflag:$0x6], $0x6000, s31, s28, $0x38;
	v63 =	vld [tilespmem:$0x0]  }
0x4a: {  	_ =	swait.ge [sflag:s25], $0x8000  }
0x4b: {  	[sflag:s25] =	ssyncset.done $0x0  }
0x4c: {  	[sflag:s25] =	ssyncadd.s32 $0xFFFF8000  }
0x4d: {  	_ =	swait.ge [sflag:s25], $0x8000  }
0x4e: {  	[sflag:s25] =	ssyncset.done $0x0  }
0x4f: {  	[sflag:s25] =	ssyncadd.s32 $0xFFFF8000  }
0x50: {  	_ =	swait.ge [sflag:s25], $0x8000  }
0x51: {  	[sflag:s25] =	ssyncset.done $0x0  }
0x52: {  	[sflag:s25] =	ssyncadd.s32 $0xFFFF8000  }
0x53: {  	_ =	swait.ge [sflag:s25], $0x8000  }
0x54: {  	[sflag:s25] =	ssyncset.done $0x0  }
0x55: {  	[sflag:s25] =	ssyncadd.s32 $0xFFFF8000  }
0x56: {  	_ =	swait.ge [sflag:s30], $0x8000  }
0x57: {  	[sflag:s30] =	ssyncset.done $0x0  }
0x58: {  	[sflag:s30] =	ssyncadd.s32 $0xFFFF8000  }
0x59: {  	_ =	swait.ge [sflag:s30], $0x8000  }
0x5a: {  	[sflag:s30] =	ssyncset.done $0x0  }
0x5b: {  	[sflag:s30] =	ssyncadd.s32 $0xFFFF8000  }
0x5c: {  	_ =	swait.ge [sflag:s30], $0x8000  }
0x5d: {  	[sflag:s30] =	ssyncset.done $0x0  }
0x5e: {  	[sflag:s30] =	ssyncadd.s32 $0xFFFF8000  }
0x5f: {  	_ =	swait.ge [sflag:s30], $0x8000  }
0x60: {  	[sflag:s30] =	ssyncset.done $0x0  }
0x61: {  	[sflag:s30] =	ssyncadd.s32 $0xFFFF8000  }
0x62: {  	_ =	swait.ge [sflag:s2], $0x6000  }
0x63: {  	[sflag:s2] =	ssyncset.done $0x0  }
0x64: {  	[sflag:s2] =	ssyncadd.s32 $0xFFFFA000  }
0x65: {  	_ =	swait.ge [sflag:s2], $0x6000  }
0x66: {  	[sflag:s2] =	ssyncset.done $0x0  }
0x67: {  	[sflag:s2] =	ssyncadd.s32 $0xFFFFA000  }
0x68: {  	_ =	swait.ge [sflag:s2], $0x6000  }
0x69: {  	[sflag:s2] =	ssyncset.done $0x0  }
0x6a: {  	[sflag:s2] =	ssyncadd.s32 $0xFFFFA000  }
0x6b: {  	_ =	swait.ge [sflag:s2], $0x6000  }
0x6c: {  	[sflag:s2] =	ssyncset.done $0x0  }
0x6d: {  	[sflag:s2] =	ssyncadd.s32 $0xFFFFA000  }
.LBB2_4:
0x6e: {  	s12 =	sadd.s32 $0xFFFFFFFF, s12  }
0x6f: {  	p1 =	sne.s32 s12, $0x0  }
.Ltmp1:
0x70: {  	_ = 	snop;
	(pc) =	sbr.rel @!p1 .LBB2_5-.Ltmp1, $1  }
0x71: {  	_ =	sdelay $0x3  }
.LBB2_1:
.Ltmp2:
0x72: {  	(pc) =	sbr.rel @p0 .LBB2_3-.Ltmp2, $1  }
0x73: {  	_ =	sdelay $0x3  }
0x74: {  	s3 =	rddreg [dreg:$0x8]  }
0x75: {  	[spmem:s13], [sflag:s4] =	dma.local [hbm:s3], $0x8000  }
0x76: {  	s3 =	rddreg [dreg:$0x9]  }
0x77: {  	[spmem:s14], [sflag:s5] =	dma.local [hbm:s3], $0x8000  }
0x78: {  	_ =	swait.ge [sflag:s20], $0x8000  }
0x79: {  	[sflag:s20] =	ssyncset.done $0x0  }
0x7a: {  	s3 =	rddreg [dreg:$0xb];
	[sflag:s20] =	ssyncadd.s32 $0xFFFF8000  }
0x7b: {  	[hbm:s3@s22], [sflag:s24] =	dma.strided [spmem:s13@s23], $0x8000, s21, $0x10   }
0x7c: {  	s3 =	rddreg [dreg:$0xc]  }
0x7d: {  	[hbm:s3@s22], [sflag:s24] =	dma.strided [spmem:s13@s23], $0x8000, s21, $0x10   }
0x7e: {  	s3 =	rddreg [dreg:$0xd]  }
0x7f: {  	[hbm:s3@s22], [sflag:s24] =	dma.strided [spmem:s13@s23], $0x8000, s21, $0x10   }
0x80: {  	s3 =	rddreg [dreg:$0xe]  }
0x81: {  	[hbm:s3@s22], [sflag:s24] =	dma.strided [spmem:s13@s23], $0x8000, s21, $0x10   }
0x82: {  	_ =	swait.ge [sflag:s25], $0x8000  }
0x83: {  	[sflag:s25] =	ssyncset.done $0x0  }
0x84: {  	[sflag:s25] =	ssyncadd.s32 $0xFFFF8000  }
0x85: {  	_ =	swait.ge [sflag:s25], $0x8000  }
0x86: {  	[sflag:s25] =	ssyncset.done $0x0  }
0x87: {  	[sflag:s25] =	ssyncadd.s32 $0xFFFF8000  }
0x88: {  	_ =	swait.ge [sflag:s25], $0x8000  }
0x89: {  	[sflag:s25] =	ssyncset.done $0x0  }
0x8a: {  	[sflag:s25] =	ssyncadd.s32 $0xFFFF8000  }
0x8b: {  	_ =	swait.ge [sflag:s25], $0x8000  }
0x8c: {  	[sflag:s25] =	ssyncset.done $0x0  }
0x8d: {  	s3 =	rddreg [dreg:$0xa];
	[sflag:s25] =	ssyncadd.s32 $0xFFFF8000  }
0x8e: {  	[spmem:s13], [sflag:s4] =	dma.local [hbm:s3], $0x6C00  }
0x8f: {  	_ =	swait.ge [sflag:s26], $0x8000  }
0x90: {  	[sflag:s26] =	ssyncset.done $0x0  }
0x91: {  	s3 =	rddreg [dreg:$0xf];
	[sflag:s26] =	ssyncadd.s32 $0xFFFF8000  }
0x92: {  	[hbm:s3@s22], [sflag:s29] =	dma.strided [spmem:s14@s23], $0x8000, s21, $0x10   }
0x93: {  	s3 =	rddreg [dreg:$0x10]  }
0x94: {  	[hbm:s3@s22], [sflag:s29] =	dma.strided [spmem:s14@s23], $0x8000, s21, $0x10   }
0x95: {  	s3 =	rddreg [dreg:$0x11]  }
0x96: {  	[hbm:s3@s22], [sflag:s29] =	dma.strided [spmem:s14@s23], $0x8000, s21, $0x10   }
0x97: {  	s3 =	rddreg [dreg:$0x12]  }
0x98: {  	[hbm:s3@s22], [sflag:s29] =	dma.strided [spmem:s14@s23], $0x8000, s21, $0x10   }
0x99: {  	_ =	swait.ge [sflag:s20], $0x6C00  }
0x9a: {  	[sflag:s20] =	ssyncset.done $0x0  }
0x9b: {  	s3 =	rddreg [dreg:$0x13];
	[sflag:s20] =	ssyncadd.s32 $0xFFFF9400  }
0x9c: {  	[hbm:s3@s22], [sflag:s24] =	dma.strided [spmem:s13@s23], $0x6C00, s21, $0x10   }
0x9d: {  	s3 =	rddreg [dreg:$0x14]  }
0x9e: {  	[hbm:s3@s22], [sflag:s24] =	dma.strided [spmem:s13@s23], $0x6C00, s21, $0x10   }
0x9f: {  	s3 =	rddreg [dreg:$0x15]  }
0xa0: {  	[hbm:s3@s22], [sflag:s24] =	dma.strided [spmem:s13@s23], $0x6C00, s21, $0x10   }
0xa1: {  	s3 =	rddreg [dreg:$0x16]  }
0xa2: {  	[hbm:s3@s22], [sflag:s24] =	dma.strided [spmem:s13@s23], $0x6C00, s21, $0x10   }
0xa3: {  	_ =	swait.ge [sflag:s30], $0x8000  }
0xa4: {  	[sflag:s30] =	ssyncset.done $0x0  }
0xa5: {  	[sflag:s30] =	ssyncadd.s32 $0xFFFF8000  }
0xa6: {  	_ =	swait.ge [sflag:s30], $0x8000  }
0xa7: {  	[sflag:s30] =	ssyncset.done $0x0  }
0xa8: {  	[sflag:s30] =	ssyncadd.s32 $0xFFFF8000  }
0xa9: {  	_ =	swait.ge [sflag:s30], $0x8000  }
0xaa: {  	[sflag:s30] =	ssyncset.done $0x0  }
0xab: {  	[sflag:s30] =	ssyncadd.s32 $0xFFFF8000  }
0xac: {  	_ =	swait.ge [sflag:s30], $0x8000  }
0xad: {  	[sflag:s30] =	ssyncset.done $0x0  }
0xae: {  	[sflag:s30] =	ssyncadd.s32 $0xFFFF8000  }
0xaf: {  	_ =	swait.ge [sflag:s25], $0x6C00  }
0xb0: {  	[sflag:s25] =	ssyncset.done $0x0  }
0xb1: {  	[sflag:s25] =	ssyncadd.s32 $0xFFFF9400  }
0xb2: {  	_ =	swait.ge [sflag:s25], $0x6C00  }
0xb3: {  	[sflag:s25] =	ssyncset.done $0x0  }
0xb4: {  	[sflag:s25] =	ssyncadd.s32 $0xFFFF9400  }
0xb5: {  	_ =	swait.ge [sflag:s25], $0x6C00  }
.Ltmp3:
0xb6: {  	[sflag:s25] =	ssyncset.done $0x0;
	(pc) =	sbr.rel .LBB2_4-.Ltmp3, $4  }
0xb7: {  	[sflag:s25] =	ssyncadd.s32 $0xFFFF9400  }
0xb8: {  	_ =	swait.ge [sflag:s25], $0x6C00  }
0xb9: {  	[sflag:s25] =	ssyncset.done $0x0  }
0xba: {  	[sflag:s25] =	ssyncadd.s32 $0xFFFF9400  }
.LBB2_5:
0xbb: {  	_ =	sfence.sel $0x180000  }
0xbc: {  	[bflag:$0x0] =	sbarrier.arrive $0xFFFF  }
0xbd: {  	_ =	strace $0x90000047  }
0xbe: {  	[bflag:$0x2] =	sbarrier.arrive $0xFFFF  }
0xbf: {  	s0 =	rddreg [dreg:$0x4]  }
0xc0: {  	s0 =	sadd.s32 @!p0 $0x100000, s0  }
0xc1: {  	[sflag:s0] =	ssyncadd.tile.s32 @!p0 $0x1;
	_ =	shalt  }
.Lfunc_end2:
_tile_overlayer_lowered:
.L_overlay_start_2:
0xc2: {  	(tag) =	ssettag $0x2  }
0xc3: {  	s0 =	rddreg [dreg:$0x0];
	s2 =	stileid.u32  }
0xc4: {  	s1 =	rddreg [dreg:$0x1];
	p0 =	sne.s32 s2, $0x0  }
0xc5: {  	s3 =	rddreg [dreg:$0x2];
	[bflag:$0x3] =	sbarrier.arrive $0xFFFF;
	s2 =	simm.s32 @!p0 $0x1C07  }
0xc6: {  	[timem:s3], [sflag:s2] =	dma.local @!p0 [hbm:s0], s1  }
0xc7: {  	s0 =	simm.s32 @!p0 $0x7  }
0xc8: {  	_ =	swait.ge @!p0 [sflag:s0], s1  }
0xc9: {  	s1 =	ssub.s32 @!p0 $0x0, s1;
	[sflag:s0] =	ssyncset.done @!p0 $0x0  }
0xca: {  	[sflag:s0] =	ssyncadd.s32 @!p0 s1  }
0xcb: {  	[bflag:$0x3] =	sbarrier.arrive $0xFFFF  }
0xcc: {  	_ =	shalt  }

</sc_bundles>
